<compile_context>
chip_gen: v7x
topology: tpu7x:2x2x1
jax: 0.10.2.dev20260603
libtpu: 0.0.44.dev20260713+nightly
codegen_flags: <defaults>
</compile_context>

<pallas_src>
import functools

import jax
import jax.numpy as jnp
from jax import lax
from jax.experimental import pallas as pl
from jax.experimental.pallas import tpu as pltpu, tpu_sc as plsc

BINS = 100
NC = 2
NS = 16
NW = NC * NS
L = 16

N = 32 * 3 * 512 * 512
COLS = 512
ROWS = N // COLS
ROWS_PER_TILE = ROWS // NW
CROWS = 64
CHUNK = CROWS * COLS
NCHUNK = ROWS_PER_TILE // CROWS
NVEC = CHUNK // L

_mesh = plsc.VectorSubcoreMesh(core_axis_name="c", subcore_axis_name="s")
_params = pltpu.CompilerParams(needs_layout_passes=False,
                               use_tc_tiling_on_sc=True)


def _wid():
    return lax.axis_index("s") * NC + lax.axis_index("c")


def _stream_chunks(arr_ref, rbase, bufs, sems, consume, carry):
    for b in range(2):
        pltpu.async_copy(
            arr_ref.at[pl.ds(rbase + b * CROWS, CROWS), :], bufs[b], sems[b])

    def pair_body(g, carry):
        for b in range(2):
            c = 2 * g + b
            pltpu.make_async_copy(
                arr_ref.at[pl.ds(0, CROWS), :], bufs[b], sems[b]).wait()
            carry = consume(bufs[b], carry)

            @pl.when(c + 2 < NCHUNK)
            def _():
                pltpu.async_copy(
                    arr_ref.at[pl.ds(rbase + (c + 2) * CROWS, CROWS), :],
                    bufs[b], sems[b])
        return carry

    return lax.fori_loop(0, NCHUNK // 2, pair_body, carry)


@functools.partial(
    pl.kernel,
    out_type=jax.ShapeDtypeStruct((NW, 2, L), jnp.float32),
    mesh=_mesh,
    compiler_params=_params,
    scratch_types=[
        pltpu.VMEM((CROWS, COLS), jnp.float32),
        pltpu.VMEM((CROWS, COLS), jnp.float32),
        pltpu.VMEM((2, L), jnp.float32),
        pltpu.SemaphoreType.DMA,
        pltpu.SemaphoreType.DMA,
    ],
)
def _minmax_kernel(p_hbm, t_hbm, out_hbm, buf0, buf1, mm, sem0, sem1):
    rbase = _wid() * ROWS_PER_TILE

    def consume(buf, carry):
        @plsc.parallel_loop(0, NVEC, unroll=8, carry=carry)
        def vec_body(i, carry):
            vmin, vmax = carry
            x = buf[i // (COLS // L), pl.ds((i % (COLS // L)) * L, L)]
            return jnp.minimum(vmin, x), jnp.maximum(vmax, x)

        return vec_body

    def scan_array(arr_ref, carry):
        return _stream_chunks(
            arr_ref, rbase, (buf0, buf1), (sem0, sem1), consume, carry)

    init = (jnp.full((L,), jnp.inf, jnp.float32),
            jnp.full((L,), -jnp.inf, jnp.float32))
    vmin, vmax = scan_array(t_hbm, scan_array(p_hbm, init))
    mm[0, :] = vmin
    mm[1, :] = vmax
    pltpu.sync_copy(mm, out_hbm.at[_wid()])


@functools.partial(
    pl.kernel,
    out_type=jax.ShapeDtypeStruct((NW, 2, BINS + 1, L), jnp.float32),
    mesh=_mesh,
    compiler_params=_params,
    scratch_types=[
        pltpu.VMEM((CROWS, COLS), jnp.float32),
        pltpu.VMEM((CROWS, COLS), jnp.float32),
        pltpu.VMEM((BINS + 1, L), jnp.float32),
        pltpu.VMEM((BINS + 1, L), jnp.float32),
        pltpu.VMEM((NW, 2, L), jnp.float32),
        pltpu.SemaphoreType.DMA,
        pltpu.SemaphoreType.DMA,
    ],
)
def _hist_kernel(p_hbm, t_hbm, mm_hbm, out_hbm,
                 buf0, buf1, hp, ht, mmv, sem0, sem1):
    rbase = _wid() * ROWS_PER_TILE
    pltpu.sync_copy(mm_hbm, mmv)

    def mm_fold(i, carry):
        vmn, vmx = carry
        return (jnp.minimum(vmn, mmv[i, 0, :]), jnp.maximum(vmx, mmv[i, 1, :]))

    vmn, vmx = lax.fori_loop(
        0, NW, mm_fold,
        (jnp.full((L,), jnp.inf, jnp.float32),
         jnp.full((L,), -jnp.inf, jnp.float32)))
    minv = jnp.min(vmn)
    maxv = jnp.max(vmx)
    lo_s = minv + jnp.float32(0.1)
    lo = jnp.full((L,), lo_s, jnp.float32)
    w = jnp.full((L,), maxv - lo_s, jnp.float32)
    lane = lax.iota(jnp.int32, L)
    ones = jnp.full((L,), 1.0, jnp.float32)
    zeros = jnp.zeros((L,), jnp.float32)

    def zero_hist(h):
        def b(i, _):
            h[i, :] = zeros
            return 0
        lax.fori_loop(0, BINS + 1, b, 0)

    def hist_array(arr_ref, h):
        def consume(buf, carry):
            @plsc.parallel_loop(0, NVEC, unroll=8)
            def vec_body(i):
                x = buf[i // (COLS // L), pl.ds((i % (COLS // L)) * L, L)]
                scaled = (x - lo) / w * jnp.float32(BINS)
                idx = scaled.astype(jnp.int32)
                idxu = plsc.bitcast(idx, jnp.uint32)
                valid = (x >= lo) & (idxu <= jnp.uint32(BINS))
                plsc.addupdate_scatter(h, [idx, lane], ones, mask=valid)

            return carry

        _stream_chunks(arr_ref, rbase, (buf0, buf1), (sem0, sem1), consume, 0)

    zero_hist(hp)
    zero_hist(ht)
    hist_array(p_hbm, hp)
    hist_array(t_hbm, ht)
    pltpu.sync_copy(hp, out_hbm.at[_wid(), 0])
    pltpu.sync_copy(ht, out_hbm.at[_wid(), 1])


def kernel(prediction, target):
    p = prediction.reshape(ROWS, COLS)
    t = target.reshape(ROWS, COLS)
    mm = _minmax_kernel(p, t)
    parts = _hist_kernel(p, t, mm)
    h = parts.sum(axis=(0, 3))
    h = h[:, :BINS].at[:, BINS - 1].add(h[:, BINS])
    return jnp.mean(jnp.abs(h[0] - h[1]))

# --- scband reference (transcript-rebuilt; emitter-appended) ---
"""Pipeline reference for scband-hist-loss-24515673325744 (READ-ONLY COPY).

The authoritative reference and input builder live on the scoring server;
editing this copy changes nothing except your own understanding.
"""

import jax, jax.numpy as jnp
import numpy as np

BINS = 100

def _histc(img, lo, hi, bins):
    # torch.histc semantics: elements in [lo, hi] counted, linear binning,
    # rightmost bin inclusive of hi; out-of-range elements ignored.
    width = hi - lo
    scaled = (img - lo) / width * bins
    idx = jnp.floor(scaled).astype(jnp.int32)
    idx = jnp.where(img >= hi, bins - 1, idx)
    valid = (img >= lo) & (img <= hi)
    idx = jnp.clip(idx, 0, bins - 1)
    counts = jnp.zeros((bins,), jnp.float32).at[idx.ravel()].add(valid.astype(jnp.float32).ravel())
    return counts

def setup_inputs(seed: int = 0):
    key = jax.random.key(seed)
    k1, k2 = jax.random.split(key)
    prediction = jax.random.normal(k1, (32, 3, 512, 512), dtype=jnp.float32)
    target = jax.random.normal(k2, (32, 3, 512, 512), dtype=jnp.float32)
    return {"prediction": prediction, "target": target}

def reference(prediction, target):
    # _min_max: python floats in torch -> constants w.r.t. grad
    minv = jax.lax.stop_gradient(jnp.minimum(prediction.min(), target.min()))
    maxv = jax.lax.stop_gradient(jnp.maximum(prediction.max(), target.max()))
    lo = minv + 0.1
    # forward detaches both inputs before histogramming
    histc_p = _histc(jax.lax.stop_gradient(prediction), lo, maxv, BINS)
    histc_t = _histc(jax.lax.stop_gradient(target), lo, maxv, BINS)
    # nn.L1Loss(reduction='mean')
    loss = jnp.mean(jnp.abs(histc_p - histc_t))
    return loss

if __name__ == "__main__":
    import jax
    _d = setup_inputs()
    print(jax.jit(kernel)(*tuple(_d.values())))

</pallas_src>

<mosaic_0001>
#map = affine_map<(d0, d1) -> (0, 0)>
#map1 = affine_map<(d0, d1) -> (0, 0, 0)>
module attributes {stable_mosaic.version = 14 : i64} {
  func.func @_minmax_kernel(%arg0: i32, %arg1: i32, %arg2: memref<49152x512xf32, #tpu.memory_space<hbm>>, %arg3: memref<49152x512xf32, #tpu.memory_space<hbm>>, %arg4: memref<32x2x16xf32, #tpu.memory_space<hbm>>, %arg5: memref<64x512xf32, #tpu.memory_space<vmem>>, %arg6: memref<64x512xf32, #tpu.memory_space<vmem>>, %arg7: memref<2x16xf32, #tpu.memory_space<vmem>>, %arg8: memref<!tpu.dma_semaphore, #tpu.memory_space<semaphore_mem>>, %arg9: memref<!tpu.dma_semaphore, #tpu.memory_space<semaphore_mem>>) attributes {dimension_semantics = [#tpu.dimension_semantics<core_parallel>, #tpu.dimension_semantics<subcore_parallel>], iteration_bounds = array<i64: 2, 16>, scalar_prefetch = 0 : i64, scratch_operands = 5 : i64, tpu.core_type = #tpu.core_type<sc_vector_subcore>, window_params = [{transform_indices = #map}, {transform_indices = #map}, {transform_indices = #map1}]} {
    %mul3A = arith.constant 2 : i32
    %mul3A_0 = arith.muli %arg1, %mul3A : i32
    %add3A = arith.addi %mul3A_0, %arg0 : i32
    %mul3A_1 = arith.constant 1536 : i32
    %mul3A_2 = arith.muli %add3A, %mul3A_1 : i32
    %broadcast_in_dim3A = arith.constant 0x7F800000 : f32
    %broadcast_in_dim3A_3 = vector.broadcast %broadcast_in_dim3A : f32 to vector<16xf32>
    %broadcast_in_dim3A_4 = arith.constant 0xFF800000 : f32
    %broadcast_in_dim3A_5 = vector.broadcast %broadcast_in_dim3A_4 : f32 to vector<16xf32>
    %add3A_6 = arith.constant 0 : i32
    %add3A_7 = arith.addi %mul3A_2, %add3A_6 : i32
    %dma_start3A = arith.constant 0 : i32
    %dma_start3A_8 = tpu.memref_slice %arg2[%add3A_7, %dma_start3A] : memref<49152x512xf32, #tpu.memory_space<hbm>> -> memref<64x512xf32, #tpu.memory_space<hbm>>
    %dma_start3A_9 = arith.constant 0 : i32
    %dma_start3A_10 = tpu.memref_slice %arg2[%add3A_7, %dma_start3A_9] : memref<49152x512xf32, #tpu.memory_space<hbm>> -> memref<64x512xf32, #tpu.memory_space<hbm>>
    tpu.enqueue_dma source(%dma_start3A_10 : memref<64x512xf32, #tpu.memory_space<hbm>>) target(%arg5 : memref<64x512xf32, #tpu.memory_space<vmem>>) target_semaphore(%arg8 : memref<!tpu.dma_semaphore, #tpu.memory_space<semaphore_mem>>)
    %add3A_11 = arith.constant 64 : i32
    %add3A_12 = arith.addi %mul3A_2, %add3A_11 : i32
    %dma_start3A_13 = arith.constant 0 : i32
    %dma_start3A_14 = tpu.memref_slice %arg2[%add3A_12, %dma_start3A_13] : memref<49152x512xf32, #tpu.memory_space<hbm>> -> memref<64x512xf32, #tpu.memory_space<hbm>>
    %dma_start3A_15 = arith.constant 0 : i32
    %dma_start3A_16 = tpu.memref_slice %arg2[%add3A_12, %dma_start3A_15] : memref<49152x512xf32, #tpu.memory_space<hbm>> -> memref<64x512xf32, #tpu.memory_space<hbm>>
    tpu.enqueue_dma source(%dma_start3A_16 : memref<64x512xf32, #tpu.memory_space<hbm>>) target(%arg6 : memref<64x512xf32, #tpu.memory_space<vmem>>) target_semaphore(%arg9 : memref<!tpu.dma_semaphore, #tpu.memory_space<semaphore_mem>>)
    %scan3A = arith.constant 0 : i32
    %scan3A_17 = arith.constant 12 : i32
    %scan3A_18 = arith.addi %scan3A, %scan3A_17 : i32
    %scan3A_19 = arith.constant 1 : i32
    %scan3A_20:2 = scf.for %scan3A_50 = %scan3A to %scan3A_18 step %scan3A_19 iter_args(%scan3A_51 = %broadcast_in_dim3A_3, %scan3A_52 = %broadcast_in_dim3A_5) -> (vector<16xf32>, vector<16xf32>)  : i32 {
      %mul3A_53 = arith.constant 2 : i32
      %mul3A_54 = arith.muli %mul3A_53, %scan3A_50 : i32
      %add3A_55 = arith.constant 0 : i32
      %add3A_56 = arith.addi %mul3A_54, %add3A_55 : i32
      %dma_wait3A = arith.constant 0 : i32
      %dma_wait3A_57 = arith.constant 0 : i32
      %dma_wait3A_58 = tpu.memref_slice %arg2[%dma_wait3A, %dma_wait3A_57] : memref<49152x512xf32, #tpu.memory_space<hbm>> -> memref<64x512xf32, #tpu.memory_space<hbm>>
      %dma_wait3A_59 = arith.constant 0 : i32
      %dma_wait3A_60 = arith.constant 0 : i32
      %dma_wait3A_61 = tpu.memref_slice %arg2[%dma_wait3A_59, %dma_wait3A_60] : memref<49152x512xf32, #tpu.memory_space<hbm>> -> memref<64x512xf32, #tpu.memory_space<hbm>>
      tpu.wait_dma2 semaphore(%arg8 : memref<!tpu.dma_semaphore, #tpu.memory_space<semaphore_mem>>) src(%dma_wait3A_61 : memref<64x512xf32, #tpu.memory_space<hbm>>) dst(%arg5 : memref<64x512xf32, #tpu.memory_space<vmem>>)
      %parallel_loop3A = arith.constant 0 : i32
      %parallel_loop3A_62 = arith.constant 2048 : i32
      %parallel_loop3A_63 = arith.constant 1 : i32
      %parallel_loop3A_64:2 = scf.for %parallel_loop3A_90 = %parallel_loop3A to %parallel_loop3A_62 step %parallel_loop3A_63 iter_args(%parallel_loop3A_91 = %scan3A_51, %parallel_loop3A_92 = %scan3A_52) -> (vector<16xf32>, vector<16xf32>)  : i32 {
        %parallel_loop3A_93 = arith.constant 32 : i32
        %parallel_loop3A_94 = arith.divsi %parallel_loop3A_90, %parallel_loop3A_93 : i32
        %parallel_loop3A_95 = arith.constant 0 : i32
        %parallel_loop3A_96 = arith.cmpi sgt, %parallel_loop3A_90, %parallel_loop3A_95 : i32
        %parallel_loop3A_97 = arith.extui %parallel_loop3A_96 : i1 to i32
        %parallel_loop3A_98 = arith.constant 0 : i32
        %parallel_loop3A_99 = arith.cmpi slt, %parallel_loop3A_90, %parallel_loop3A_98 : i32
        %parallel_loop3A_100 = arith.extui %parallel_loop3A_99 : i1 to i32
        %parallel_loop3A_101 = arith.subi %parallel_loop3A_97, %parallel_loop3A_100 : i32
        %parallel_loop3A_102 = arith.constant 0 : i32
        %parallel_loop3A_103 = arith.cmpi sgt, %parallel_loop3A_93, %parallel_loop3A_102 : i32
        %parallel_loop3A_104 = arith.extui %parallel_loop3A_103 : i1 to i32
        %parallel_loop3A_105 = arith.constant 0 : i32
        %parallel_loop3A_106 = arith.cmpi slt, %parallel_loop3A_93, %parallel_loop3A_105 : i32
        %parallel_loop3A_107 = arith.extui %parallel_loop3A_106 : i1 to i32
        %parallel_loop3A_108 = arith.subi %parallel_loop3A_104, %parallel_loop3A_107 : i32
        %parallel_loop3A_109 = arith.cmpi ne, %parallel_loop3A_101, %parallel_loop3A_108 : i32
        %parallel_loop3A_110 = arith.remsi %parallel_loop3A_90, %parallel_loop3A_93 : i32
        %parallel_loop3A_111 = arith.constant 0 : i32
        %parallel_loop3A_112 = arith.cmpi ne, %parallel_loop3A_110, %parallel_loop3A_111 : i32
        %parallel_loop3A_113 = arith.andi %parallel_loop3A_109, %parallel_loop3A_112 : i1
        %parallel_loop3A_114 = arith.constant 1 : i32
        %parallel_loop3A_115 = arith.subi %parallel_loop3A_94, %parallel_loop3A_114 : i32
        %parallel_loop3A_116 = arith.select %parallel_loop3A_113, %parallel_loop3A_115, %parallel_loop3A_94 : i32
        %parallel_loop3A_117 = arith.constant 32 : i32
        %parallel_loop3A_118 = arith.constant 0 : i32
        %parallel_loop3A_119 = arith.cmpi eq, %parallel_loop3A_117, %parallel_loop3A_118 : i32
        %parallel_loop3A_120 = arith.constant 1 : i32
        %parallel_loop3A_121 = arith.select %parallel_loop3A_119, %parallel_loop3A_120, %parallel_loop3A_117 : i32
        %parallel_loop3A_122 = arith.remsi %parallel_loop3A_90, %parallel_loop3A_121 : i32
        %parallel_loop3A_123 = arith.constant 0 : i32
        %parallel_loop3A_124 = arith.cmpi ne, %parallel_loop3A_122, %parallel_loop3A_123 : i32
        %parallel_loop3A_125 = arith.constant 0 : i32
        %parallel_loop3A_126 = arith.cmpi slt, %parallel_loop3A_122, %parallel_loop3A_125 : i32
        %parallel_loop3A_127 = arith.constant 0 : i32
        %parallel_loop3A_128 = arith.cmpi slt, %parallel_loop3A_121, %parallel_loop3A_127 : i32
        %parallel_loop3A_129 = arith.xori %parallel_loop3A_126, %parallel_loop3A_128 : i1
        %parallel_loop3A_130 = arith.andi %parallel_loop3A_129, %parallel_loop3A_124 : i1
        %parallel_loop3A_131 = arith.addi %parallel_loop3A_122, %parallel_loop3A_121 : i32
        %parallel_loop3A_132 = arith.select %parallel_loop3A_130, %parallel_loop3A_131, %parallel_loop3A_122 : i32
        %parallel_loop3A_133 = arith.constant 16 : i32
        %parallel_loop3A_134 = arith.muli %parallel_loop3A_132, %parallel_loop3A_133 : i32
        %parallel_loop3A_135 = arith.index_cast %parallel_loop3A_116 : i32 to index
        %parallel_loop3A_136 = arith.index_cast %parallel_loop3A_134 : i32 to index
        %parallel_loop3A_137 = tpu.vector_load %arg5[%parallel_loop3A_135, %parallel_loop3A_136] {strides = array<i32>} : memref<64x512xf32, #tpu.memory_space<vmem>>, vector<16xf32>,
        %parallel_loop3A_138 = arith.minimumf %parallel_loop3A_91, %parallel_loop3A_137 : vector<16xf32>
        %parallel_loop3A_139 = arith.maximumf %parallel_loop3A_92, %parallel_loop3A_137 : vector<16xf32>
        scf.yield %parallel_loop3A_138, %parallel_loop3A_139 : vector<16xf32>, vector<16xf32>
      } {sc.loop_unroll_factor = 8 : i64, sc.parallel_access}
      %add3A_65 = arith.constant 2 : i32
      %add3A_66 = arith.addi %add3A_56, %add3A_65 : i32
      %lt3A = arith.constant 24 : i32
      %lt3A_67 = arith.cmpi slt, %add3A_66, %lt3A : i32
      %convert_element_type3A = arith.extui %lt3A_67 : i1 to i32
      %cond3A = arith.constant 0 : i32
      %cond3A_68 = arith.cmpi ne, %convert_element_type3A, %cond3A : i32
      scf.if %cond3A_68 {
        %add3A_90 = arith.constant 2 : i32
        %add3A_91 = arith.addi %add3A_56, %add3A_90 : i32
        %mul3A_92 = arith.constant 64 : i32
        %mul3A_93 = arith.muli %add3A_91, %mul3A_92 : i32
        %add3A_94 = arith.addi %mul3A_2, %mul3A_93 : i32
        %dma_start3A_95 = arith.constant 0 : i32
        %dma_start3A_96 = tpu.memref_slice %arg2[%add3A_94, %dma_start3A_95] : memref<49152x512xf32, #tpu.memory_space<hbm>> -> memref<64x512xf32, #tpu.memory_space<hbm>>
        %dma_start3A_97 = arith.constant 0 : i32
        %dma_start3A_98 = tpu.memref_slice %arg2[%add3A_94, %dma_start3A_97] : memref<49152x512xf32, #tpu.memory_space<hbm>> -> memref<64x512xf32, #tpu.memory_space<hbm>>
        tpu.enqueue_dma source(%dma_start3A_98 : memref<64x512xf32, #tpu.memory_space<hbm>>) target(%arg5 : memref<64x512xf32, #tpu.memory_space<vmem>>) target_semaphore(%arg8 : memref<!tpu.dma_semaphore, #tpu.memory_space<semaphore_mem>>)
      } else {
      }
      %mul3A_69 = arith.constant 2 : i32
      %mul3A_70 = arith.muli %mul3A_69, %scan3A_50 : i32
      %add3A_71 = arith.constant 1 : i32
      %add3A_72 = arith.addi %mul3A_70, %add3A_71 : i32
      %dma_wait3A_73 = arith.constant 0 : i32
      %dma_wait3A_74 = arith.constant 0 : i32
      %dma_wait3A_75 = tpu.memref_slice %arg2[%dma_wait3A_73, %dma_wait3A_74] : memref<49152x512xf32, #tpu.memory_space<hbm>> -> memref<64x512xf32, #tpu.memory_space<hbm>>
      %dma_wait3A_76 = arith.constant 0 : i32
      %dma_wait3A_77 = arith.constant 0 : i32
      %dma_wait3A_78 = tpu.memref_slice %arg2[%dma_wait3A_76, %dma_wait3A_77] : memref<49152x512xf32, #tpu.memory_space<hbm>> -> memref<64x512xf32, #tpu.memory_space<hbm>>
      tpu.wait_dma2 semaphore(%arg9 : memref<!tpu.dma_semaphore, #tpu.memory_space<semaphore_mem>>) src(%dma_wait3A_78 : memref<64x512xf32, #tpu.memory_space<hbm>>) dst(%arg6 : memref<64x512xf32, #tpu.memory_space<vmem>>)
      %parallel_loop3A_79 = arith.constant 0 : i32
      %parallel_loop3A_80 = arith.constant 2048 : i32
      %parallel_loop3A_81 = arith.constant 1 : i32
      %parallel_loop3A_82:2 = scf.for %parallel_loop3A_90 = %parallel_loop3A_79 to %parallel_loop3A_80 step %parallel_loop3A_81 iter_args(%parallel_loop3A_91 = %parallel_loop3A_64#0, %parallel_loop3A_92 = %parallel_loop3A_64#1) -> (vector<16xf32>, vector<16xf32>)  : i32 {
        %parallel_loop3A_93 = arith.constant 32 : i32
        %parallel_loop3A_94 = arith.divsi %parallel_loop3A_90, %parallel_loop3A_93 : i32
        %parallel_loop3A_95 = arith.constant 0 : i32
        %parallel_loop3A_96 = arith.cmpi sgt, %parallel_loop3A_90, %parallel_loop3A_95 : i32
        %parallel_loop3A_97 = arith.extui %parallel_loop3A_96 : i1 to i32
        %parallel_loop3A_98 = arith.constant 0 : i32
        %parallel_loop3A_99 = arith.cmpi slt, %parallel_loop3A_90, %parallel_loop3A_98 : i32
        %parallel_loop3A_100 = arith.extui %parallel_loop3A_99 : i1 to i32
        %parallel_loop3A_101 = arith.subi %parallel_loop3A_97, %parallel_loop3A_100 : i32
        %parallel_loop3A_102 = arith.constant 0 : i32
        %parallel_loop3A_103 = arith.cmpi sgt, %parallel_loop3A_93, %parallel_loop3A_102 : i32
        %parallel_loop3A_104 = arith.extui %parallel_loop3A_103 : i1 to i32
        %parallel_loop3A_105 = arith.constant 0 : i32
        %parallel_loop3A_106 = arith.cmpi slt, %parallel_loop3A_93, %parallel_loop3A_105 : i32
        %parallel_loop3A_107 = arith.extui %parallel_loop3A_106 : i1 to i32
        %parallel_loop3A_108 = arith.subi %parallel_loop3A_104, %parallel_loop3A_107 : i32
        %parallel_loop3A_109 = arith.cmpi ne, %parallel_loop3A_101, %parallel_loop3A_108 : i32
        %parallel_loop3A_110 = arith.remsi %parallel_loop3A_90, %parallel_loop3A_93 : i32
        %parallel_loop3A_111 = arith.constant 0 : i32
        %parallel_loop3A_112 = arith.cmpi ne, %parallel_loop3A_110, %parallel_loop3A_111 : i32
        %parallel_loop3A_113 = arith.andi %parallel_loop3A_109, %parallel_loop3A_112 : i1
        %parallel_loop3A_114 = arith.constant 1 : i32
        %parallel_loop3A_115 = arith.subi %parallel_loop3A_94, %parallel_loop3A_114 : i32
        %parallel_loop3A_116 = arith.select %parallel_loop3A_113, %parallel_loop3A_115, %parallel_loop3A_94 : i32
        %parallel_loop3A_117 = arith.constant 32 : i32
        %parallel_loop3A_118 = arith.constant 0 : i32
        %parallel_loop3A_119 = arith.cmpi eq, %parallel_loop3A_117, %parallel_loop3A_118 : i32
        %parallel_loop3A_120 = arith.constant 1 : i32
        %parallel_loop3A_121 = arith.select %parallel_loop3A_119, %parallel_loop3A_120, %parallel_loop3A_117 : i32
        %parallel_loop3A_122 = arith.remsi %parallel_loop3A_90, %parallel_loop3A_121 : i32
        %parallel_loop3A_123 = arith.constant 0 : i32
        %parallel_loop3A_124 = arith.cmpi ne, %parallel_loop3A_122, %parallel_loop3A_123 : i32
        %parallel_loop3A_125 = arith.constant 0 : i32
        %parallel_loop3A_126 = arith.cmpi slt, %parallel_loop3A_122, %parallel_loop3A_125 : i32
        %parallel_loop3A_127 = arith.constant 0 : i32
        %parallel_loop3A_128 = arith.cmpi slt, %parallel_loop3A_121, %parallel_loop3A_127 : i32
        %parallel_loop3A_129 = arith.xori %parallel_loop3A_126, %parallel_loop3A_128 : i1
        %parallel_loop3A_130 = arith.andi %parallel_loop3A_129, %parallel_loop3A_124 : i1
        %parallel_loop3A_131 = arith.addi %parallel_loop3A_122, %parallel_loop3A_121 : i32
        %parallel_loop3A_132 = arith.select %parallel_loop3A_130, %parallel_loop3A_131, %parallel_loop3A_122 : i32
        %parallel_loop3A_133 = arith.constant 16 : i32
        %parallel_loop3A_134 = arith.muli %parallel_loop3A_132, %parallel_loop3A_133 : i32
        %parallel_loop3A_135 = arith.index_cast %parallel_loop3A_116 : i32 to index
        %parallel_loop3A_136 = arith.index_cast %parallel_loop3A_134 : i32 to index
        %parallel_loop3A_137 = tpu.vector_load %arg6[%parallel_loop3A_135, %parallel_loop3A_136] {strides = array<i32>} : memref<64x512xf32, #tpu.memory_space<vmem>>, vector<16xf32>,
        %parallel_loop3A_138 = arith.minimumf %parallel_loop3A_91, %parallel_loop3A_137 : vector<16xf32>
        %parallel_loop3A_139 = arith.maximumf %parallel_loop3A_92, %parallel_loop3A_137 : vector<16xf32>
        scf.yield %parallel_loop3A_138, %parallel_loop3A_139 : vector<16xf32>, vector<16xf32>
      } {sc.loop_unroll_factor = 8 : i64, sc.parallel_access}
      %add3A_83 = arith.constant 2 : i32
      %add3A_84 = arith.addi %add3A_72, %add3A_83 : i32
      %lt3A_85 = arith.constant 24 : i32
      %lt3A_86 = arith.cmpi slt, %add3A_84, %lt3A_85 : i32
      %convert_element_type3A_87 = arith.extui %lt3A_86 : i1 to i32
      %cond3A_88 = arith.constant 0 : i32
      %cond3A_89 = arith.cmpi ne, %convert_element_type3A_87, %cond3A_88 : i32
      scf.if %cond3A_89 {
        %add3A_90 = arith.constant 2 : i32
        %add3A_91 = arith.addi %add3A_72, %add3A_90 : i32
        %mul3A_92 = arith.constant 64 : i32
        %mul3A_93 = arith.muli %add3A_91, %mul3A_92 : i32
        %add3A_94 = arith.addi %mul3A_2, %mul3A_93 : i32
        %dma_start3A_95 = arith.constant 0 : i32
        %dma_start3A_96 = tpu.memref_slice %arg2[%add3A_94, %dma_start3A_95] : memref<49152x512xf32, #tpu.memory_space<hbm>> -> memref<64x512xf32, #tpu.memory_space<hbm>>
        %dma_start3A_97 = arith.constant 0 : i32
        %dma_start3A_98 = tpu.memref_slice %arg2[%add3A_94, %dma_start3A_97] : memref<49152x512xf32, #tpu.memory_space<hbm>> -> memref<64x512xf32, #tpu.memory_space<hbm>>
        tpu.enqueue_dma source(%dma_start3A_98 : memref<64x512xf32, #tpu.memory_space<hbm>>) target(%arg6 : memref<64x512xf32, #tpu.memory_space<vmem>>) target_semaphore(%arg9 : memref<!tpu.dma_semaphore, #tpu.memory_space<semaphore_mem>>)
      } else {
      }
      scf.yield %parallel_loop3A_82#0, %parallel_loop3A_82#1 : vector<16xf32>, vector<16xf32>
    }
    %scan3A_21 = arith.constant 12 : i32
    %add3A_22 = arith.constant 0 : i32
    %add3A_23 = arith.addi %mul3A_2, %add3A_22 : i32
    %dma_start3A_24 = arith.constant 0 : i32
    %dma_start3A_25 = tpu.memref_slice %arg3[%add3A_23, %dma_start3A_24] : memref<49152x512xf32, #tpu.memory_space<hbm>> -> memref<64x512xf32, #tpu.memory_space<hbm>>
    %dma_start3A_26 = arith.constant 0 : i32
    %dma_start3A_27 = tpu.memref_slice %arg3[%add3A_23, %dma_start3A_26] : memref<49152x512xf32, #tpu.memory_space<hbm>> -> memref<64x512xf32, #tpu.memory_space<hbm>>
    tpu.enqueue_dma source(%dma_start3A_27 : memref<64x512xf32, #tpu.memory_space<hbm>>) target(%arg5 : memref<64x512xf32, #tpu.memory_space<vmem>>) target_semaphore(%arg8 : memref<!tpu.dma_semaphore, #tpu.memory_space<semaphore_mem>>)
    %add3A_28 = arith.constant 64 : i32
    %add3A_29 = arith.addi %mul3A_2, %add3A_28 : i32
    %dma_start3A_30 = arith.constant 0 : i32
    %dma_start3A_31 = tpu.memref_slice %arg3[%add3A_29, %dma_start3A_30] : memref<49152x512xf32, #tpu.memory_space<hbm>> -> memref<64x512xf32, #tpu.memory_space<hbm>>
    %dma_start3A_32 = arith.constant 0 : i32
    %dma_start3A_33 = tpu.memref_slice %arg3[%add3A_29, %dma_start3A_32] : memref<49152x512xf32, #tpu.memory_space<hbm>> -> memref<64x512xf32, #tpu.memory_space<hbm>>
    tpu.enqueue_dma source(%dma_start3A_33 : memref<64x512xf32, #tpu.memory_space<hbm>>) target(%arg6 : memref<64x512xf32, #tpu.memory_space<vmem>>) target_semaphore(%arg9 : memref<!tpu.dma_semaphore, #tpu.memory_space<semaphore_mem>>)
    %scan3A_34 = arith.constant 0 : i32
    %scan3A_35 = arith.constant 12 : i32
    %scan3A_36 = arith.addi %scan3A_34, %scan3A_35 : i32
    %scan3A_37 = arith.constant 1 : i32
    %scan3A_38:2 = scf.for %scan3A_50 = %scan3A_34 to %scan3A_36 step %scan3A_37 iter_args(%scan3A_51 = %scan3A_20#0, %scan3A_52 = %scan3A_20#1) -> (vector<16xf32>, vector<16xf32>)  : i32 {
      %mul3A_53 = arith.constant 2 : i32
      %mul3A_54 = arith.muli %mul3A_53, %scan3A_50 : i32
      %add3A_55 = arith.constant 0 : i32
      %add3A_56 = arith.addi %mul3A_54, %add3A_55 : i32
      %dma_wait3A = arith.constant 0 : i32
      %dma_wait3A_57 = arith.constant 0 : i32
      %dma_wait3A_58 = tpu.memref_slice %arg3[%dma_wait3A, %dma_wait3A_57] : memref<49152x512xf32, #tpu.memory_space<hbm>> -> memref<64x512xf32, #tpu.memory_space<hbm>>
      %dma_wait3A_59 = arith.constant 0 : i32
      %dma_wait3A_60 = arith.constant 0 : i32
      %dma_wait3A_61 = tpu.memref_slice %arg3[%dma_wait3A_59, %dma_wait3A_60] : memref<49152x512xf32, #tpu.memory_space<hbm>> -> memref<64x512xf32, #tpu.memory_space<hbm>>
      tpu.wait_dma2 semaphore(%arg8 : memref<!tpu.dma_semaphore, #tpu.memory_space<semaphore_mem>>) src(%dma_wait3A_61 : memref<64x512xf32, #tpu.memory_space<hbm>>) dst(%arg5 : memref<64x512xf32, #tpu.memory_space<vmem>>)
      %parallel_loop3A = arith.constant 0 : i32
      %parallel_loop3A_62 = arith.constant 2048 : i32
      %parallel_loop3A_63 = arith.constant 1 : i32
      %parallel_loop3A_64:2 = scf.for %parallel_loop3A_90 = %parallel_loop3A to %parallel_loop3A_62 step %parallel_loop3A_63 iter_args(%parallel_loop3A_91 = %scan3A_51, %parallel_loop3A_92 = %scan3A_52) -> (vector<16xf32>, vector<16xf32>)  : i32 {
        %parallel_loop3A_93 = arith.constant 32 : i32
        %parallel_loop3A_94 = arith.divsi %parallel_loop3A_90, %parallel_loop3A_93 : i32
        %parallel_loop3A_95 = arith.constant 0 : i32
        %parallel_loop3A_96 = arith.cmpi sgt, %parallel_loop3A_90, %parallel_loop3A_95 : i32
        %parallel_loop3A_97 = arith.extui %parallel_loop3A_96 : i1 to i32
        %parallel_loop3A_98 = arith.constant 0 : i32
        %parallel_loop3A_99 = arith.cmpi slt, %parallel_loop3A_90, %parallel_loop3A_98 : i32
        %parallel_loop3A_100 = arith.extui %parallel_loop3A_99 : i1 to i32
        %parallel_loop3A_101 = arith.subi %parallel_loop3A_97, %parallel_loop3A_100 : i32
        %parallel_loop3A_102 = arith.constant 0 : i32
        %parallel_loop3A_103 = arith.cmpi sgt, %parallel_loop3A_93, %parallel_loop3A_102 : i32
        %parallel_loop3A_104 = arith.extui %parallel_loop3A_103 : i1 to i32
        %parallel_loop3A_105 = arith.constant 0 : i32
        %parallel_loop3A_106 = arith.cmpi slt, %parallel_loop3A_93, %parallel_loop3A_105 : i32
        %parallel_loop3A_107 = arith.extui %parallel_loop3A_106 : i1 to i32
        %parallel_loop3A_108 = arith.subi %parallel_loop3A_104, %parallel_loop3A_107 : i32
        %parallel_loop3A_109 = arith.cmpi ne, %parallel_loop3A_101, %parallel_loop3A_108 : i32
        %parallel_loop3A_110 = arith.remsi %parallel_loop3A_90, %parallel_loop3A_93 : i32
        %parallel_loop3A_111 = arith.constant 0 : i32
        %parallel_loop3A_112 = arith.cmpi ne, %parallel_loop3A_110, %parallel_loop3A_111 : i32
        %parallel_loop3A_113 = arith.andi %parallel_loop3A_109, %parallel_loop3A_112 : i1
        %parallel_loop3A_114 = arith.constant 1 : i32
        %parallel_loop3A_115 = arith.subi %parallel_loop3A_94, %parallel_loop3A_114 : i32
        %parallel_loop3A_116 = arith.select %parallel_loop3A_113, %parallel_loop3A_115, %parallel_loop3A_94 : i32
        %parallel_loop3A_117 = arith.constant 32 : i32
        %parallel_loop3A_118 = arith.constant 0 : i32
        %parallel_loop3A_119 = arith.cmpi eq, %parallel_loop3A_117, %parallel_loop3A_118 : i32
        %parallel_loop3A_120 = arith.constant 1 : i32
        %parallel_loop3A_121 = arith.select %parallel_loop3A_119, %parallel_loop3A_120, %parallel_loop3A_117 : i32
        %parallel_loop3A_122 = arith.remsi %parallel_loop3A_90, %parallel_loop3A_121 : i32
        %parallel_loop3A_123 = arith.constant 0 : i32
        %parallel_loop3A_124 = arith.cmpi ne, %parallel_loop3A_122, %parallel_loop3A_123 : i32
        %parallel_loop3A_125 = arith.constant 0 : i32
        %parallel_loop3A_126 = arith.cmpi slt, %parallel_loop3A_122, %parallel_loop3A_125 : i32
        %parallel_loop3A_127 = arith.constant 0 : i32
        %parallel_loop3A_128 = arith.cmpi slt, %parallel_loop3A_121, %parallel_loop3A_127 : i32
        %parallel_loop3A_129 = arith.xori %parallel_loop3A_126, %parallel_loop3A_128 : i1
        %parallel_loop3A_130 = arith.andi %parallel_loop3A_129, %parallel_loop3A_124 : i1
        %parallel_loop3A_131 = arith.addi %parallel_loop3A_122, %parallel_loop3A_121 : i32
        %parallel_loop3A_132 = arith.select %parallel_loop3A_130, %parallel_loop3A_131, %parallel_loop3A_122 : i32
        %parallel_loop3A_133 = arith.constant 16 : i32
        %parallel_loop3A_134 = arith.muli %parallel_loop3A_132, %parallel_loop3A_133 : i32
        %parallel_loop3A_135 = arith.index_cast %parallel_loop3A_116 : i32 to index
        %parallel_loop3A_136 = arith.index_cast %parallel_loop3A_134 : i32 to index
        %parallel_loop3A_137 = tpu.vector_load %arg5[%parallel_loop3A_135, %parallel_loop3A_136] {strides = array<i32>} : memref<64x512xf32, #tpu.memory_space<vmem>>, vector<16xf32>,
        %parallel_loop3A_138 = arith.minimumf %parallel_loop3A_91, %parallel_loop3A_137 : vector<16xf32>
        %parallel_loop3A_139 = arith.maximumf %parallel_loop3A_92, %parallel_loop3A_137 : vector<16xf32>
        scf.yield %parallel_loop3A_138, %parallel_loop3A_139 : vector<16xf32>, vector<16xf32>
      } {sc.loop_unroll_factor = 8 : i64, sc.parallel_access}
      %add3A_65 = arith.constant 2 : i32
      %add3A_66 = arith.addi %add3A_56, %add3A_65 : i32
      %lt3A = arith.constant 24 : i32
      %lt3A_67 = arith.cmpi slt, %add3A_66, %lt3A : i32
      %convert_element_type3A = arith.extui %lt3A_67 : i1 to i32
      %cond3A = arith.constant 0 : i32
      %cond3A_68 = arith.cmpi ne, %convert_element_type3A, %cond3A : i32
      scf.if %cond3A_68 {
        %add3A_90 = arith.constant 2 : i32
        %add3A_91 = arith.addi %add3A_56, %add3A_90 : i32
        %mul3A_92 = arith.constant 64 : i32
        %mul3A_93 = arith.muli %add3A_91, %mul3A_92 : i32
        %add3A_94 = arith.addi %mul3A_2, %mul3A_93 : i32
        %dma_start3A_95 = arith.constant 0 : i32
        %dma_start3A_96 = tpu.memref_slice %arg3[%add3A_94, %dma_start3A_95] : memref<49152x512xf32, #tpu.memory_space<hbm>> -> memref<64x512xf32, #tpu.memory_space<hbm>>
        %dma_start3A_97 = arith.constant 0 : i32
        %dma_start3A_98 = tpu.memref_slice %arg3[%add3A_94, %dma_start3A_97] : memref<49152x512xf32, #tpu.memory_space<hbm>> -> memref<64x512xf32, #tpu.memory_space<hbm>>
        tpu.enqueue_dma source(%dma_start3A_98 : memref<64x512xf32, #tpu.memory_space<hbm>>) target(%arg5 : memref<64x512xf32, #tpu.memory_space<vmem>>) target_semaphore(%arg8 : memref<!tpu.dma_semaphore, #tpu.memory_space<semaphore_mem>>)
      } else {
      }
      %mul3A_69 = arith.constant 2 : i32
      %mul3A_70 = arith.muli %mul3A_69, %scan3A_50 : i32
      %add3A_71 = arith.constant 1 : i32
      %add3A_72 = arith.addi %mul3A_70, %add3A_71 : i32
      %dma_wait3A_73 = arith.constant 0 : i32
      %dma_wait3A_74 = arith.constant 0 : i32
      %dma_wait3A_75 = tpu.memref_slice %arg3[%dma_wait3A_73, %dma_wait3A_74] : memref<49152x512xf32, #tpu.memory_space<hbm>> -> memref<64x512xf32, #tpu.memory_space<hbm>>
      %dma_wait3A_76 = arith.constant 0 : i32
      %dma_wait3A_77 = arith.constant 0 : i32
      %dma_wait3A_78 = tpu.memref_slice %arg3[%dma_wait3A_76, %dma_wait3A_77] : memref<49152x512xf32, #tpu.memory_space<hbm>> -> memref<64x512xf32, #tpu.memory_space<hbm>>
      tpu.wait_dma2 semaphore(%arg9 : memref<!tpu.dma_semaphore, #tpu.memory_space<semaphore_mem>>) src(%dma_wait3A_78 : memref<64x512xf32, #tpu.memory_space<hbm>>) dst(%arg6 : memref<64x512xf32, #tpu.memory_space<vmem>>)
      %parallel_loop3A_79 = arith.constant 0 : i32
      %parallel_loop3A_80 = arith.constant 2048 : i32
      %parallel_loop3A_81 = arith.constant 1 : i32
      %parallel_loop3A_82:2 = scf.for %parallel_loop3A_90 = %parallel_loop3A_79 to %parallel_loop3A_80 step %parallel_loop3A_81 iter_args(%parallel_loop3A_91 = %parallel_loop3A_64#0, %parallel_loop3A_92 = %parallel_loop3A_64#1) -> (vector<16xf32>, vector<16xf32>)  : i32 {
        %parallel_loop3A_93 = arith.constant 32 : i32
        %parallel_loop3A_94 = arith.divsi %parallel_loop3A_90, %parallel_loop3A_93 : i32
        %parallel_loop3A_95 = arith.constant 0 : i32
        %parallel_loop3A_96 = arith.cmpi sgt, %parallel_loop3A_90, %parallel_loop3A_95 : i32
        %parallel_loop3A_97 = arith.extui %parallel_loop3A_96 : i1 to i32
        %parallel_loop3A_98 = arith.constant 0 : i32
        %parallel_loop3A_99 = arith.cmpi slt, %parallel_loop3A_90, %parallel_loop3A_98 : i32
        %parallel_loop3A_100 = arith.extui %parallel_loop3A_99 : i1 to i32
        %parallel_loop3A_101 = arith.subi %parallel_loop3A_97, %parallel_loop3A_100 : i32
        %parallel_loop3A_102 = arith.constant 0 : i32
        %parallel_loop3A_103 = arith.cmpi sgt, %parallel_loop3A_93, %parallel_loop3A_102 : i32
        %parallel_loop3A_104 = arith.extui %parallel_loop3A_103 : i1 to i32
        %parallel_loop3A_105 = arith.constant 0 : i32
        %parallel_loop3A_106 = arith.cmpi slt, %parallel_loop3A_93, %parallel_loop3A_105 : i32
        %parallel_loop3A_107 = arith.extui %parallel_loop3A_106 : i1 to i32
        %parallel_loop3A_108 = arith.subi %parallel_loop3A_104, %parallel_loop3A_107 : i32
        %parallel_loop3A_109 = arith.cmpi ne, %parallel_loop3A_101, %parallel_loop3A_108 : i32
        %parallel_loop3A_110 = arith.remsi %parallel_loop3A_90, %parallel_loop3A_93 : i32
        %parallel_loop3A_111 = arith.constant 0 : i32
        %parallel_loop3A_112 = arith.cmpi ne, %parallel_loop3A_110, %parallel_loop3A_111 : i32
        %parallel_loop3A_113 = arith.andi %parallel_loop3A_109, %parallel_loop3A_112 : i1
        %parallel_loop3A_114 = arith.constant 1 : i32
        %parallel_loop3A_115 = arith.subi %parallel_loop3A_94, %parallel_loop3A_114 : i32
        %parallel_loop3A_116 = arith.select %parallel_loop3A_113, %parallel_loop3A_115, %parallel_loop3A_94 : i32
        %parallel_loop3A_117 = arith.constant 32 : i32
        %parallel_loop3A_118 = arith.constant 0 : i32
        %parallel_loop3A_119 = arith.cmpi eq, %parallel_loop3A_117, %parallel_loop3A_118 : i32
        %parallel_loop3A_120 = arith.constant 1 : i32
        %parallel_loop3A_121 = arith.select %parallel_loop3A_119, %parallel_loop3A_120, %parallel_loop3A_117 : i32
        %parallel_loop3A_122 = arith.remsi %parallel_loop3A_90, %parallel_loop3A_121 : i32
        %parallel_loop3A_123 = arith.constant 0 : i32
        %parallel_loop3A_124 = arith.cmpi ne, %parallel_loop3A_122, %parallel_loop3A_123 : i32
        %parallel_loop3A_125 = arith.constant 0 : i32
        %parallel_loop3A_126 = arith.cmpi slt, %parallel_loop3A_122, %parallel_loop3A_125 : i32
        %parallel_loop3A_127 = arith.constant 0 : i32
        %parallel_loop3A_128 = arith.cmpi slt, %parallel_loop3A_121, %parallel_loop3A_127 : i32
        %parallel_loop3A_129 = arith.xori %parallel_loop3A_126, %parallel_loop3A_128 : i1
        %parallel_loop3A_130 = arith.andi %parallel_loop3A_129, %parallel_loop3A_124 : i1
        %parallel_loop3A_131 = arith.addi %parallel_loop3A_122, %parallel_loop3A_121 : i32
        %parallel_loop3A_132 = arith.select %parallel_loop3A_130, %parallel_loop3A_131, %parallel_loop3A_122 : i32
        %parallel_loop3A_133 = arith.constant 16 : i32
        %parallel_loop3A_134 = arith.muli %parallel_loop3A_132, %parallel_loop3A_133 : i32
        %parallel_loop3A_135 = arith.index_cast %parallel_loop3A_116 : i32 to index
        %parallel_loop3A_136 = arith.index_cast %parallel_loop3A_134 : i32 to index
        %parallel_loop3A_137 = tpu.vector_load %arg6[%parallel_loop3A_135, %parallel_loop3A_136] {strides = array<i32>} : memref<64x512xf32, #tpu.memory_space<vmem>>, vector<16xf32>,
        %parallel_loop3A_138 = arith.minimumf %parallel_loop3A_91, %parallel_loop3A_137 : vector<16xf32>
        %parallel_loop3A_139 = arith.maximumf %parallel_loop3A_92, %parallel_loop3A_137 : vector<16xf32>
        scf.yield %parallel_loop3A_138, %parallel_loop3A_139 : vector<16xf32>, vector<16xf32>
      } {sc.loop_unroll_factor = 8 : i64, sc.parallel_access}
      %add3A_83 = arith.constant 2 : i32
      %add3A_84 = arith.addi %add3A_72, %add3A_83 : i32
      %lt3A_85 = arith.constant 24 : i32
      %lt3A_86 = arith.cmpi slt, %add3A_84, %lt3A_85 : i32
      %convert_element_type3A_87 = arith.extui %lt3A_86 : i1 to i32
      %cond3A_88 = arith.constant 0 : i32
      %cond3A_89 = arith.cmpi ne, %convert_element_type3A_87, %cond3A_88 : i32
      scf.if %cond3A_89 {
        %add3A_90 = arith.constant 2 : i32
        %add3A_91 = arith.addi %add3A_72, %add3A_90 : i32
        %mul3A_92 = arith.constant 64 : i32
        %mul3A_93 = arith.muli %add3A_91, %mul3A_92 : i32
        %add3A_94 = arith.addi %mul3A_2, %mul3A_93 : i32
        %dma_start3A_95 = arith.constant 0 : i32
        %dma_start3A_96 = tpu.memref_slice %arg3[%add3A_94, %dma_start3A_95] : memref<49152x512xf32, #tpu.memory_space<hbm>> -> memref<64x512xf32, #tpu.memory_space<hbm>>
        %dma_start3A_97 = arith.constant 0 : i32
        %dma_start3A_98 = tpu.memref_slice %arg3[%add3A_94, %dma_start3A_97] : memref<49152x512xf32, #tpu.memory_space<hbm>> -> memref<64x512xf32, #tpu.memory_space<hbm>>
        tpu.enqueue_dma source(%dma_start3A_98 : memref<64x512xf32, #tpu.memory_space<hbm>>) target(%arg6 : memref<64x512xf32, #tpu.memory_space<vmem>>) target_semaphore(%arg9 : memref<!tpu.dma_semaphore, #tpu.memory_space<semaphore_mem>>)
      } else {
      }
      scf.yield %parallel_loop3A_82#0, %parallel_loop3A_82#1 : vector<16xf32>, vector<16xf32>
    }
    %scan3A_39 = arith.constant 12 : i32
    %swap3A = arith.constant 0 : i32
    %swap3A_40 = arith.index_cast %swap3A : i32 to index
    %swap3A_41 = arith.constant 0 : index
    %swap3A_42 = tpu.vector_load %arg7[%swap3A_40, %swap3A_41] {strides = array<i32>} : memref<2x16xf32, #tpu.memory_space<vmem>>, vector<16xf32>,
    tpu.vector_store %arg7[%swap3A_40, %swap3A_41], %scan3A_38#0 {strides = array<i32>} : memref<2x16xf32, #tpu.memory_space<vmem>>, vector<16xf32>,
    %swap3A_43 = arith.constant 1 : i32
    %swap3A_44 = arith.index_cast %swap3A_43 : i32 to index
    %swap3A_45 = arith.constant 0 : index
    %swap3A_46 = tpu.vector_load %arg7[%swap3A_44, %swap3A_45] {strides = array<i32>} : memref<2x16xf32, #tpu.memory_space<vmem>>, vector<16xf32>,
    tpu.vector_store %arg7[%swap3A_44, %swap3A_45], %scan3A_38#1 {strides = array<i32>} : memref<2x16xf32, #tpu.memory_space<vmem>>, vector<16xf32>,
    %mul3A_47 = arith.constant 2 : i32
    %mul3A_48 = arith.muli %arg1, %mul3A_47 : i32
    %add3A_49 = arith.addi %mul3A_48, %arg0 : i32
    "tpu.region"() ({
      %run_scoped3A = tpu.sem_alloc : memref<!tpu.dma_semaphore, #tpu.memory_space<semaphore_mem>>
      %dma_start3A_50 = arith.constant 0 : i32
      %dma_start3A_51 = arith.constant 0 : i32
      %dma_start3A_52 = tpu.memref_slice %arg4[%add3A_49, %dma_start3A_50, %dma_start3A_51] : memref<32x2x16xf32, #tpu.memory_space<hbm>> -> memref<1x2x16xf32, #tpu.memory_space<hbm>>
      %dma_start3A_53 = tpu.memref_squeeze %dma_start3A_52 : memref<1x2x16xf32, #tpu.memory_space<hbm>> -> memref<2x16xf32, #tpu.memory_space<hbm>>
      %dma_start3A_54 = arith.constant 0 : i32
      %dma_start3A_55 = arith.constant 0 : i32
      %dma_start3A_56 = tpu.memref_slice %arg4[%add3A_49, %dma_start3A_54, %dma_start3A_55] : memref<32x2x16xf32, #tpu.memory_space<hbm>> -> memref<1x2x16xf32, #tpu.memory_space<hbm>>
      %dma_start3A_57 = tpu.memref_squeeze %dma_start3A_56 : memref<1x2x16xf32, #tpu.memory_space<hbm>> -> memref<2x16xf32, #tpu.memory_space<hbm>>
      tpu.enqueue_dma source(%arg7 : memref<2x16xf32, #tpu.memory_space<vmem>>) target(%dma_start3A_57 : memref<2x16xf32, #tpu.memory_space<hbm>>) target_semaphore(%run_scoped3A : memref<!tpu.dma_semaphore, #tpu.memory_space<semaphore_mem>>)
      %dma_wait3A = arith.constant 0 : i32
      %dma_wait3A_58 = arith.constant 0 : i32
      %dma_wait3A_59 = tpu.memref_slice %arg4[%add3A_49, %dma_wait3A, %dma_wait3A_58] : memref<32x2x16xf32, #tpu.memory_space<hbm>> -> memref<1x2x16xf32, #tpu.memory_space<hbm>>
      %dma_wait3A_60 = tpu.memref_squeeze %dma_wait3A_59 : memref<1x2x16xf32, #tpu.memory_space<hbm>> -> memref<2x16xf32, #tpu.memory_space<hbm>>
      %dma_wait3A_61 = arith.constant 0 : i32
      %dma_wait3A_62 = arith.constant 0 : i32
      %dma_wait3A_63 = tpu.memref_slice %arg4[%add3A_49, %dma_wait3A_61, %dma_wait3A_62] : memref<32x2x16xf32, #tpu.memory_space<hbm>> -> memref<1x2x16xf32, #tpu.memory_space<hbm>>
      %dma_wait3A_64 = tpu.memref_squeeze %dma_wait3A_63 : memref<1x2x16xf32, #tpu.memory_space<hbm>> -> memref<2x16xf32, #tpu.memory_space<hbm>>
      tpu.wait_dma2 semaphore(%run_scoped3A : memref<!tpu.dma_semaphore, #tpu.memory_space<semaphore_mem>>) src(%arg7 : memref<2x16xf32, #tpu.memory_space<vmem>>) dst(%dma_wait3A_64 : memref<2x16xf32, #tpu.memory_space<hbm>>)
      tpu.yield
    }) : () -> ()
    return
  }
}

#map = affine_map<(d0, d1) -> (0, 0)>
#map1 = affine_map<(d0, d1) -> (0, 0, 0)>
#map2 = affine_map<(d0, d1) -> (0, 0, 0, 0)>
module attributes {stable_mosaic.version = 14 : i64} {
  func.func @_hist_kernel(%arg0: i32, %arg1: i32, %arg2: memref<49152x512xf32, #tpu.memory_space<hbm>>, %arg3: memref<49152x512xf32, #tpu.memory_space<hbm>>, %arg4: memref<32x2x16xf32, #tpu.memory_space<hbm>>, %arg5: memref<32x2x101x16xf32, #tpu.memory_space<hbm>>, %arg6: memref<64x512xf32, #tpu.memory_space<vmem>>, %arg7: memref<64x512xf32, #tpu.memory_space<vmem>>, %arg8: memref<101x16xf32, #tpu.memory_space<vmem>>, %arg9: memref<101x16xf32, #tpu.memory_space<vmem>>, %arg10: memref<32x2x16xf32, #tpu.memory_space<vmem>>, %arg11: memref<!tpu.dma_semaphore, #tpu.memory_space<semaphore_mem>>, %arg12: memref<!tpu.dma_semaphore, #tpu.memory_space<semaphore_mem>>) attributes {dimension_semantics = [#tpu.dimension_semantics<core_parallel>, #tpu.dimension_semantics<subcore_parallel>], iteration_bounds = array<i64: 2, 16>, scalar_prefetch = 0 : i64, scratch_operands = 7 : i64, tpu.core_type = #tpu.core_type<sc_vector_subcore>, window_params = [{transform_indices = #map}, {transform_indices = #map}, {transform_indices = #map1}, {transform_indices = #map2}]} {
    %mul3A = arith.constant 2 : i32
    %mul3A_0 = arith.muli %arg1, %mul3A : i32
    %add3A = arith.addi %mul3A_0, %arg0 : i32
    %mul3A_1 = arith.constant 1536 : i32
    %mul3A_2 = arith.muli %add3A, %mul3A_1 : i32
    "tpu.region"() ({
      %run_scoped3A_81 = tpu.sem_alloc : memref<!tpu.dma_semaphore, #tpu.memory_space<semaphore_mem>>
      tpu.enqueue_dma source(%arg4 : memref<32x2x16xf32, #tpu.memory_space<hbm>>) target(%arg10 : memref<32x2x16xf32, #tpu.memory_space<vmem>>) target_semaphore(%run_scoped3A_81 : memref<!tpu.dma_semaphore, #tpu.memory_space<semaphore_mem>>)
      tpu.wait_dma2 semaphore(%run_scoped3A_81 : memref<!tpu.dma_semaphore, #tpu.memory_space<semaphore_mem>>) src(%arg4 : memref<32x2x16xf32, #tpu.memory_space<hbm>>) dst(%arg10 : memref<32x2x16xf32, #tpu.memory_space<vmem>>)
      tpu.yield
    }) : () -> ()
    %broadcast_in_dim3A = arith.constant 0x7F800000 : f32
    %broadcast_in_dim3A_3 = vector.broadcast %broadcast_in_dim3A : f32 to vector<16xf32>
    %broadcast_in_dim3A_4 = arith.constant 0xFF800000 : f32
    %broadcast_in_dim3A_5 = vector.broadcast %broadcast_in_dim3A_4 : f32 to vector<16xf32>
    %scan3A = arith.constant 0 : i32
    %scan3A_6 = arith.constant 32 : i32
    %scan3A_7 = arith.addi %scan3A, %scan3A_6 : i32
    %scan3A_8 = arith.constant 1 : i32
    %scan3A_9:2 = scf.for %scan3A_81 = %scan3A to %scan3A_7 step %scan3A_8 iter_args(%scan3A_82 = %broadcast_in_dim3A_3, %scan3A_83 = %broadcast_in_dim3A_5) -> (vector<16xf32>, vector<16xf32>)  : i32 {
      %get3A = arith.constant 0 : i32
      %get3A_84 = arith.index_cast %scan3A_81 : i32 to index
      %get3A_85 = arith.index_cast %get3A : i32 to index
      %get3A_86 = arith.constant 0 : index
      %get3A_87 = tpu.vector_load %arg10[%get3A_84, %get3A_85, %get3A_86] {strides = array<i32>} : memref<32x2x16xf32, #tpu.memory_space<vmem>>, vector<16xf32>,
      %min3A = arith.minimumf %scan3A_82, %get3A_87 : vector<16xf32>
      %get3A_88 = arith.constant 1 : i32
      %get3A_89 = arith.index_cast %scan3A_81 : i32 to index
      %get3A_90 = arith.index_cast %get3A_88 : i32 to index
      %get3A_91 = arith.constant 0 : index
      %get3A_92 = tpu.vector_load %arg10[%get3A_89, %get3A_90, %get3A_91] {strides = array<i32>} : memref<32x2x16xf32, #tpu.memory_space<vmem>>, vector<16xf32>,
      %max3A = arith.maximumf %scan3A_83, %get3A_92 : vector<16xf32>
      scf.yield %min3A, %max3A : vector<16xf32>, vector<16xf32>
    }
    %scan3A_10 = arith.constant 32 : i32
    %reduce_min3A = arith.constant true
    %reduce_min3A_11 = vector.broadcast %reduce_min3A : i1 to vector<16xi1>
    %reduce_min3A_12 = tpu.scan <min>, %scan3A_9#0 masked %reduce_min3A_11 : vector<16xf32>, vector<16xi1> -> vector<16xf32>
    %reduce_min3A_13 = vector.extract %reduce_min3A_12[15] : f32 from vector<16xf32>
    %reduce_max3A = arith.constant true
    %reduce_max3A_14 = vector.broadcast %reduce_max3A : i1 to vector<16xi1>
    %reduce_max3A_15 = tpu.scan <max>, %scan3A_9#1 masked %reduce_max3A_14 : vector<16xf32>, vector<16xi1> -> vector<16xf32>
    %reduce_max3A_16 = vector.extract %reduce_max3A_15[15] : f32 from vector<16xf32>
    %add3A_17 = arith.constant 1.000000e-01 : f32
    %add3A_18 = arith.addf %reduce_min3A_13, %add3A_17 : f32
    %broadcast_in_dim3A_19 = vector.broadcast %add3A_18 : f32 to vector<16xf32>
    %sub3A = arith.subf %reduce_max3A_16, %add3A_18 : f32
    %broadcast_in_dim3A_20 = vector.broadcast %sub3A : f32 to vector<16xf32>
    %iota3A = tpu.iota {dimensions = array<i32: 0>} : vector<16xi32>
    %broadcast_in_dim3A_21 = arith.constant 1.000000e+00 : f32
    %broadcast_in_dim3A_22 = vector.broadcast %broadcast_in_dim3A_21 : f32 to vector<16xf32>
    %broadcast_in_dim3A_23 = arith.constant 0.000000e+00 : f32
    %broadcast_in_dim3A_24 = vector.broadcast %broadcast_in_dim3A_23 : f32 to vector<16xf32>
    %scan3A_25 = arith.constant 0 : i32
    %scan3A_26 = arith.constant 0 : i32
    %scan3A_27 = arith.constant 101 : i32
    %scan3A_28 = arith.addi %scan3A_26, %scan3A_27 : i32
    %scan3A_29 = arith.constant 1 : i32
    %scan3A_30 = scf.for %scan3A_81 = %scan3A_26 to %scan3A_28 step %scan3A_29 iter_args(%scan3A_82 = %scan3A_25) -> (i32)  : i32 {
      %swap3A = arith.index_cast %scan3A_81 : i32 to index
      %swap3A_83 = arith.constant 0 : index
      %swap3A_84 = tpu.vector_load %arg8[%swap3A, %swap3A_83] {strides = array<i32>} : memref<101x16xf32, #tpu.memory_space<vmem>>, vector<16xf32>,
      tpu.vector_store %arg8[%swap3A, %swap3A_83], %broadcast_in_dim3A_24 {strides = array<i32>} : memref<101x16xf32, #tpu.memory_space<vmem>>, vector<16xf32>,
      %scan3A_85 = arith.constant 0 : i32
      scf.yield %scan3A_85 : i32
    }
    %scan3A_31 = arith.constant 101 : i32
    %scan3A_32 = arith.constant 0 : i32
    %scan3A_33 = arith.constant 0 : i32
    %scan3A_34 = arith.constant 101 : i32
    %scan3A_35 = arith.addi %scan3A_33, %scan3A_34 : i32
    %scan3A_36 = arith.constant 1 : i32
    %scan3A_37 = scf.for %scan3A_81 = %scan3A_33 to %scan3A_35 step %scan3A_36 iter_args(%scan3A_82 = %scan3A_32) -> (i32)  : i32 {
      %swap3A = arith.index_cast %scan3A_81 : i32 to index
      %swap3A_83 = arith.constant 0 : index
      %swap3A_84 = tpu.vector_load %arg9[%swap3A, %swap3A_83] {strides = array<i32>} : memref<101x16xf32, #tpu.memory_space<vmem>>, vector<16xf32>,
      tpu.vector_store %arg9[%swap3A, %swap3A_83], %broadcast_in_dim3A_24 {strides = array<i32>} : memref<101x16xf32, #tpu.memory_space<vmem>>, vector<16xf32>,
      %scan3A_85 = arith.constant 0 : i32
      scf.yield %scan3A_85 : i32
    }
    %scan3A_38 = arith.constant 101 : i32
    %add3A_39 = arith.constant 0 : i32
    %add3A_40 = arith.addi %mul3A_2, %add3A_39 : i32
    %dma_start3A = arith.constant 0 : i32
    %dma_start3A_41 = tpu.memref_slice %arg2[%add3A_40, %dma_start3A] : memref<49152x512xf32, #tpu.memory_space<hbm>> -> memref<64x512xf32, #tpu.memory_space<hbm>>
    %dma_start3A_42 = arith.constant 0 : i32
    %dma_start3A_43 = tpu.memref_slice %arg2[%add3A_40, %dma_start3A_42] : memref<49152x512xf32, #tpu.memory_space<hbm>> -> memref<64x512xf32, #tpu.memory_space<hbm>>
    tpu.enqueue_dma source(%dma_start3A_43 : memref<64x512xf32, #tpu.memory_space<hbm>>) target(%arg6 : memref<64x512xf32, #tpu.memory_space<vmem>>) target_semaphore(%arg11 : memref<!tpu.dma_semaphore, #tpu.memory_space<semaphore_mem>>)
    %add3A_44 = arith.constant 64 : i32
    %add3A_45 = arith.addi %mul3A_2, %add3A_44 : i32
    %dma_start3A_46 = arith.constant 0 : i32
    %dma_start3A_47 = tpu.memref_slice %arg2[%add3A_45, %dma_start3A_46] : memref<49152x512xf32, #tpu.memory_space<hbm>> -> memref<64x512xf32, #tpu.memory_space<hbm>>
    %dma_start3A_48 = arith.constant 0 : i32
    %dma_start3A_49 = tpu.memref_slice %arg2[%add3A_45, %dma_start3A_48] : memref<49152x512xf32, #tpu.memory_space<hbm>> -> memref<64x512xf32, #tpu.memory_space<hbm>>
    tpu.enqueue_dma source(%dma_start3A_49 : memref<64x512xf32, #tpu.memory_space<hbm>>) target(%arg7 : memref<64x512xf32, #tpu.memory_space<vmem>>) target_semaphore(%arg12 : memref<!tpu.dma_semaphore, #tpu.memory_space<semaphore_mem>>)
    %scan3A_50 = arith.constant 0 : i32
    %scan3A_51 = arith.constant 0 : i32
    %scan3A_52 = arith.constant 12 : i32
    %scan3A_53 = arith.addi %scan3A_51, %scan3A_52 : i32
    %scan3A_54 = arith.constant 1 : i32
    scf.for %scan3A_81 = %scan3A_51 to %scan3A_53 step %scan3A_54  : i32 {
      %mul3A_82 = arith.constant 2 : i32
      %mul3A_83 = arith.muli %mul3A_82, %scan3A_81 : i32
      %add3A_84 = arith.constant 0 : i32
      %add3A_85 = arith.addi %mul3A_83, %add3A_84 : i32
      %dma_wait3A = arith.constant 0 : i32
      %dma_wait3A_86 = arith.constant 0 : i32
      %dma_wait3A_87 = tpu.memref_slice %arg2[%dma_wait3A, %dma_wait3A_86] : memref<49152x512xf32, #tpu.memory_space<hbm>> -> memref<64x512xf32, #tpu.memory_space<hbm>>
      %dma_wait3A_88 = arith.constant 0 : i32
      %dma_wait3A_89 = arith.constant 0 : i32
      %dma_wait3A_90 = tpu.memref_slice %arg2[%dma_wait3A_88, %dma_wait3A_89] : memref<49152x512xf32, #tpu.memory_space<hbm>> -> memref<64x512xf32, #tpu.memory_space<hbm>>
      tpu.wait_dma2 semaphore(%arg11 : memref<!tpu.dma_semaphore, #tpu.memory_space<semaphore_mem>>) src(%dma_wait3A_90 : memref<64x512xf32, #tpu.memory_space<hbm>>) dst(%arg6 : memref<64x512xf32, #tpu.memory_space<vmem>>)
      %parallel_loop3A = arith.constant 0 : i32
      %parallel_loop3A_91 = arith.constant 2048 : i32
      %parallel_loop3A_92 = arith.constant 1 : i32
      scf.for %parallel_loop3A_117 = %parallel_loop3A to %parallel_loop3A_91 step %parallel_loop3A_92  : i32 {
        %parallel_loop3A_118 = arith.constant 32 : i32
        %parallel_loop3A_119 = arith.divsi %parallel_loop3A_117, %parallel_loop3A_118 : i32
        %parallel_loop3A_120 = arith.constant 0 : i32
        %parallel_loop3A_121 = arith.cmpi sgt, %parallel_loop3A_117, %parallel_loop3A_120 : i32
        %parallel_loop3A_122 = arith.extui %parallel_loop3A_121 : i1 to i32
        %parallel_loop3A_123 = arith.constant 0 : i32
        %parallel_loop3A_124 = arith.cmpi slt, %parallel_loop3A_117, %parallel_loop3A_123 : i32
        %parallel_loop3A_125 = arith.extui %parallel_loop3A_124 : i1 to i32
        %parallel_loop3A_126 = arith.subi %parallel_loop3A_122, %parallel_loop3A_125 : i32
        %parallel_loop3A_127 = arith.constant 0 : i32
        %parallel_loop3A_128 = arith.cmpi sgt, %parallel_loop3A_118, %parallel_loop3A_127 : i32
        %parallel_loop3A_129 = arith.extui %parallel_loop3A_128 : i1 to i32
        %parallel_loop3A_130 = arith.constant 0 : i32
        %parallel_loop3A_131 = arith.cmpi slt, %parallel_loop3A_118, %parallel_loop3A_130 : i32
        %parallel_loop3A_132 = arith.extui %parallel_loop3A_131 : i1 to i32
        %parallel_loop3A_133 = arith.subi %parallel_loop3A_129, %parallel_loop3A_132 : i32
        %parallel_loop3A_134 = arith.cmpi ne, %parallel_loop3A_126, %parallel_loop3A_133 : i32
        %parallel_loop3A_135 = arith.remsi %parallel_loop3A_117, %parallel_loop3A_118 : i32
        %parallel_loop3A_136 = arith.constant 0 : i32
        %parallel_loop3A_137 = arith.cmpi ne, %parallel_loop3A_135, %parallel_loop3A_136 : i32
        %parallel_loop3A_138 = arith.andi %parallel_loop3A_134, %parallel_loop3A_137 : i1
        %parallel_loop3A_139 = arith.constant 1 : i32
        %parallel_loop3A_140 = arith.subi %parallel_loop3A_119, %parallel_loop3A_139 : i32
        %parallel_loop3A_141 = arith.select %parallel_loop3A_138, %parallel_loop3A_140, %parallel_loop3A_119 : i32
        %parallel_loop3A_142 = arith.constant 32 : i32
        %parallel_loop3A_143 = arith.constant 0 : i32
        %parallel_loop3A_144 = arith.cmpi eq, %parallel_loop3A_142, %parallel_loop3A_143 : i32
        %parallel_loop3A_145 = arith.constant 1 : i32
        %parallel_loop3A_146 = arith.select %parallel_loop3A_144, %parallel_loop3A_145, %parallel_loop3A_142 : i32
        %parallel_loop3A_147 = arith.remsi %parallel_loop3A_117, %parallel_loop3A_146 : i32
        %parallel_loop3A_148 = arith.constant 0 : i32
        %parallel_loop3A_149 = arith.cmpi ne, %parallel_loop3A_147, %parallel_loop3A_148 : i32
        %parallel_loop3A_150 = arith.constant 0 : i32
        %parallel_loop3A_151 = arith.cmpi slt, %parallel_loop3A_147, %parallel_loop3A_150 : i32
        %parallel_loop3A_152 = arith.constant 0 : i32
        %parallel_loop3A_153 = arith.cmpi slt, %parallel_loop3A_146, %parallel_loop3A_152 : i32
        %parallel_loop3A_154 = arith.xori %parallel_loop3A_151, %parallel_loop3A_153 : i1
        %parallel_loop3A_155 = arith.andi %parallel_loop3A_154, %parallel_loop3A_149 : i1
        %parallel_loop3A_156 = arith.addi %parallel_loop3A_147, %parallel_loop3A_146 : i32
        %parallel_loop3A_157 = arith.select %parallel_loop3A_155, %parallel_loop3A_156, %parallel_loop3A_147 : i32
        %parallel_loop3A_158 = arith.constant 16 : i32
        %parallel_loop3A_159 = arith.muli %parallel_loop3A_157, %parallel_loop3A_158 : i32
        %parallel_loop3A_160 = arith.index_cast %parallel_loop3A_141 : i32 to index
        %parallel_loop3A_161 = arith.index_cast %parallel_loop3A_159 : i32 to index
        %parallel_loop3A_162 = tpu.vector_load %arg6[%parallel_loop3A_160, %parallel_loop3A_161] {strides = array<i32>} : memref<64x512xf32, #tpu.memory_space<vmem>>, vector<16xf32>,
        %parallel_loop3A_163 = arith.subf %parallel_loop3A_162, %broadcast_in_dim3A_19 : vector<16xf32>
        %parallel_loop3A_164 = arith.divf %parallel_loop3A_163, %broadcast_in_dim3A_20 : vector<16xf32>
        %parallel_loop3A_165 = arith.constant 1.000000e+02 : f32
        %parallel_loop3A_166 = vector.broadcast %parallel_loop3A_165 : f32 to vector<16xf32>
        %parallel_loop3A_167 = arith.mulf %parallel_loop3A_164, %parallel_loop3A_166 : vector<16xf32>
        %parallel_loop3A_168 = arith.fptosi %parallel_loop3A_167 : vector<16xf32> to vector<16xi32>
        %parallel_loop3A_169 = vector.bitcast %parallel_loop3A_168 : vector<16xi32> to vector<16xi32>
        %parallel_loop3A_170 = arith.cmpf oge, %parallel_loop3A_162, %broadcast_in_dim3A_19 : vector<16xf32>
        %parallel_loop3A_171 = arith.constant 100 : i32
        %parallel_loop3A_172 = vector.broadcast %parallel_loop3A_171 : i32 to vector<16xi32>
        %parallel_loop3A_173 = arith.cmpi ule, %parallel_loop3A_169, %parallel_loop3A_172 : vector<16xi32>
        %parallel_loop3A_174 = arith.andi %parallel_loop3A_170, %parallel_loop3A_173 : vector<16xi1>
        tpu.vector_store_idx %arg8[%parallel_loop3A_168, %iota3A], %broadcast_in_dim3A_22 masked %parallel_loop3A_174 {add = true} : memref<101x16xf32, #tpu.memory_space<vmem>>[vector<16xi32>, vector<16xi32>], vector<16xf32>, vector<16xi1>
      } {sc.loop_unroll_factor = 8 : i64, sc.parallel_access}
      %add3A_93 = arith.constant 2 : i32
      %add3A_94 = arith.addi %add3A_85, %add3A_93 : i32
      %lt3A = arith.constant 24 : i32
      %lt3A_95 = arith.cmpi slt, %add3A_94, %lt3A : i32
      %convert_element_type3A = arith.extui %lt3A_95 : i1 to i32
      %cond3A = arith.constant 0 : i32
      %cond3A_96 = arith.cmpi ne, %convert_element_type3A, %cond3A : i32
      scf.if %cond3A_96 {
        %add3A_117 = arith.constant 2 : i32
        %add3A_118 = arith.addi %add3A_85, %add3A_117 : i32
        %mul3A_119 = arith.constant 64 : i32
        %mul3A_120 = arith.muli %add3A_118, %mul3A_119 : i32
        %add3A_121 = arith.addi %mul3A_2, %mul3A_120 : i32
        %dma_start3A_122 = arith.constant 0 : i32
        %dma_start3A_123 = tpu.memref_slice %arg2[%add3A_121, %dma_start3A_122] : memref<49152x512xf32, #tpu.memory_space<hbm>> -> memref<64x512xf32, #tpu.memory_space<hbm>>
        %dma_start3A_124 = arith.constant 0 : i32
        %dma_start3A_125 = tpu.memref_slice %arg2[%add3A_121, %dma_start3A_124] : memref<49152x512xf32, #tpu.memory_space<hbm>> -> memref<64x512xf32, #tpu.memory_space<hbm>>
        tpu.enqueue_dma source(%dma_start3A_125 : memref<64x512xf32, #tpu.memory_space<hbm>>) target(%arg6 : memref<64x512xf32, #tpu.memory_space<vmem>>) target_semaphore(%arg11 : memref<!tpu.dma_semaphore, #tpu.memory_space<semaphore_mem>>)
      } else {
      }
      %mul3A_97 = arith.constant 2 : i32
      %mul3A_98 = arith.muli %mul3A_97, %scan3A_81 : i32
      %add3A_99 = arith.constant 1 : i32
      %add3A_100 = arith.addi %mul3A_98, %add3A_99 : i32
      %dma_wait3A_101 = arith.constant 0 : i32
      %dma_wait3A_102 = arith.constant 0 : i32
      %dma_wait3A_103 = tpu.memref_slice %arg2[%dma_wait3A_101, %dma_wait3A_102] : memref<49152x512xf32, #tpu.memory_space<hbm>> -> memref<64x512xf32, #tpu.memory_space<hbm>>
      %dma_wait3A_104 = arith.constant 0 : i32
      %dma_wait3A_105 = arith.constant 0 : i32
      %dma_wait3A_106 = tpu.memref_slice %arg2[%dma_wait3A_104, %dma_wait3A_105] : memref<49152x512xf32, #tpu.memory_space<hbm>> -> memref<64x512xf32, #tpu.memory_space<hbm>>
      tpu.wait_dma2 semaphore(%arg12 : memref<!tpu.dma_semaphore, #tpu.memory_space<semaphore_mem>>) src(%dma_wait3A_106 : memref<64x512xf32, #tpu.memory_space<hbm>>) dst(%arg7 : memref<64x512xf32, #tpu.memory_space<vmem>>)
      %parallel_loop3A_107 = arith.constant 0 : i32
      %parallel_loop3A_108 = arith.constant 2048 : i32
      %parallel_loop3A_109 = arith.constant 1 : i32
      scf.for %parallel_loop3A_117 = %parallel_loop3A_107 to %parallel_loop3A_108 step %parallel_loop3A_109  : i32 {
        %parallel_loop3A_118 = arith.constant 32 : i32
        %parallel_loop3A_119 = arith.divsi %parallel_loop3A_117, %parallel_loop3A_118 : i32
        %parallel_loop3A_120 = arith.constant 0 : i32
        %parallel_loop3A_121 = arith.cmpi sgt, %parallel_loop3A_117, %parallel_loop3A_120 : i32
        %parallel_loop3A_122 = arith.extui %parallel_loop3A_121 : i1 to i32
        %parallel_loop3A_123 = arith.constant 0 : i32
        %parallel_loop3A_124 = arith.cmpi slt, %parallel_loop3A_117, %parallel_loop3A_123 : i32
        %parallel_loop3A_125 = arith.extui %parallel_loop3A_124 : i1 to i32
        %parallel_loop3A_126 = arith.subi %parallel_loop3A_122, %parallel_loop3A_125 : i32
        %parallel_loop3A_127 = arith.constant 0 : i32
        %parallel_loop3A_128 = arith.cmpi sgt, %parallel_loop3A_118, %parallel_loop3A_127 : i32
        %parallel_loop3A_129 = arith.extui %parallel_loop3A_128 : i1 to i32
        %parallel_loop3A_130 = arith.constant 0 : i32
        %parallel_loop3A_131 = arith.cmpi slt, %parallel_loop3A_118, %parallel_loop3A_130 : i32
        %parallel_loop3A_132 = arith.extui %parallel_loop3A_131 : i1 to i32
        %parallel_loop3A_133 = arith.subi %parallel_loop3A_129, %parallel_loop3A_132 : i32
        %parallel_loop3A_134 = arith.cmpi ne, %parallel_loop3A_126, %parallel_loop3A_133 : i32
        %parallel_loop3A_135 = arith.remsi %parallel_loop3A_117, %parallel_loop3A_118 : i32
        %parallel_loop3A_136 = arith.constant 0 : i32
        %parallel_loop3A_137 = arith.cmpi ne, %parallel_loop3A_135, %parallel_loop3A_136 : i32
        %parallel_loop3A_138 = arith.andi %parallel_loop3A_134, %parallel_loop3A_137 : i1
        %parallel_loop3A_139 = arith.constant 1 : i32
        %parallel_loop3A_140 = arith.subi %parallel_loop3A_119, %parallel_loop3A_139 : i32
        %parallel_loop3A_141 = arith.select %parallel_loop3A_138, %parallel_loop3A_140, %parallel_loop3A_119 : i32
        %parallel_loop3A_142 = arith.constant 32 : i32
        %parallel_loop3A_143 = arith.constant 0 : i32
        %parallel_loop3A_144 = arith.cmpi eq, %parallel_loop3A_142, %parallel_loop3A_143 : i32
        %parallel_loop3A_145 = arith.constant 1 : i32
        %parallel_loop3A_146 = arith.select %parallel_loop3A_144, %parallel_loop3A_145, %parallel_loop3A_142 : i32
        %parallel_loop3A_147 = arith.remsi %parallel_loop3A_117, %parallel_loop3A_146 : i32
        %parallel_loop3A_148 = arith.constant 0 : i32
        %parallel_loop3A_149 = arith.cmpi ne, %parallel_loop3A_147, %parallel_loop3A_148 : i32
        %parallel_loop3A_150 = arith.constant 0 : i32
        %parallel_loop3A_151 = arith.cmpi slt, %parallel_loop3A_147, %parallel_loop3A_150 : i32
        %parallel_loop3A_152 = arith.constant 0 : i32
        %parallel_loop3A_153 = arith.cmpi slt, %parallel_loop3A_146, %parallel_loop3A_152 : i32
        %parallel_loop3A_154 = arith.xori %parallel_loop3A_151, %parallel_loop3A_153 : i1
        %parallel_loop3A_155 = arith.andi %parallel_loop3A_154, %parallel_loop3A_149 : i1
        %parallel_loop3A_156 = arith.addi %parallel_loop3A_147, %parallel_loop3A_146 : i32
        %parallel_loop3A_157 = arith.select %parallel_loop3A_155, %parallel_loop3A_156, %parallel_loop3A_147 : i32
        %parallel_loop3A_158 = arith.constant 16 : i32
        %parallel_loop3A_159 = arith.muli %parallel_loop3A_157, %parallel_loop3A_158 : i32
        %parallel_loop3A_160 = arith.index_cast %parallel_loop3A_141 : i32 to index
        %parallel_loop3A_161 = arith.index_cast %parallel_loop3A_159 : i32 to index
        %parallel_loop3A_162 = tpu.vector_load %arg7[%parallel_loop3A_160, %parallel_loop3A_161] {strides = array<i32>} : memref<64x512xf32, #tpu.memory_space<vmem>>, vector<16xf32>,
        %parallel_loop3A_163 = arith.subf %parallel_loop3A_162, %broadcast_in_dim3A_19 : vector<16xf32>
        %parallel_loop3A_164 = arith.divf %parallel_loop3A_163, %broadcast_in_dim3A_20 : vector<16xf32>
        %parallel_loop3A_165 = arith.constant 1.000000e+02 : f32
        %parallel_loop3A_166 = vector.broadcast %parallel_loop3A_165 : f32 to vector<16xf32>
        %parallel_loop3A_167 = arith.mulf %parallel_loop3A_164, %parallel_loop3A_166 : vector<16xf32>
        %parallel_loop3A_168 = arith.fptosi %parallel_loop3A_167 : vector<16xf32> to vector<16xi32>
        %parallel_loop3A_169 = vector.bitcast %parallel_loop3A_168 : vector<16xi32> to vector<16xi32>
        %parallel_loop3A_170 = arith.cmpf oge, %parallel_loop3A_162, %broadcast_in_dim3A_19 : vector<16xf32>
        %parallel_loop3A_171 = arith.constant 100 : i32
        %parallel_loop3A_172 = vector.broadcast %parallel_loop3A_171 : i32 to vector<16xi32>
        %parallel_loop3A_173 = arith.cmpi ule, %parallel_loop3A_169, %parallel_loop3A_172 : vector<16xi32>
        %parallel_loop3A_174 = arith.andi %parallel_loop3A_170, %parallel_loop3A_173 : vector<16xi1>
        tpu.vector_store_idx %arg8[%parallel_loop3A_168, %iota3A], %broadcast_in_dim3A_22 masked %parallel_loop3A_174 {add = true} : memref<101x16xf32, #tpu.memory_space<vmem>>[vector<16xi32>, vector<16xi32>], vector<16xf32>, vector<16xi1>
      } {sc.loop_unroll_factor = 8 : i64, sc.parallel_access}
      %add3A_110 = arith.constant 2 : i32
      %add3A_111 = arith.addi %add3A_100, %add3A_110 : i32
      %lt3A_112 = arith.constant 24 : i32
      %lt3A_113 = arith.cmpi slt, %add3A_111, %lt3A_112 : i32
      %convert_element_type3A_114 = arith.extui %lt3A_113 : i1 to i32
      %cond3A_115 = arith.constant 0 : i32
      %cond3A_116 = arith.cmpi ne, %convert_element_type3A_114, %cond3A_115 : i32
      scf.if %cond3A_116 {
        %add3A_117 = arith.constant 2 : i32
        %add3A_118 = arith.addi %add3A_100, %add3A_117 : i32
        %mul3A_119 = arith.constant 64 : i32
        %mul3A_120 = arith.muli %add3A_118, %mul3A_119 : i32
        %add3A_121 = arith.addi %mul3A_2, %mul3A_120 : i32
        %dma_start3A_122 = arith.constant 0 : i32
        %dma_start3A_123 = tpu.memref_slice %arg2[%add3A_121, %dma_start3A_122] : memref<49152x512xf32, #tpu.memory_space<hbm>> -> memref<64x512xf32, #tpu.memory_space<hbm>>
        %dma_start3A_124 = arith.constant 0 : i32
        %dma_start3A_125 = tpu.memref_slice %arg2[%add3A_121, %dma_start3A_124] : memref<49152x512xf32, #tpu.memory_space<hbm>> -> memref<64x512xf32, #tpu.memory_space<hbm>>
        tpu.enqueue_dma source(%dma_start3A_125 : memref<64x512xf32, #tpu.memory_space<hbm>>) target(%arg7 : memref<64x512xf32, #tpu.memory_space<vmem>>) target_semaphore(%arg12 : memref<!tpu.dma_semaphore, #tpu.memory_space<semaphore_mem>>)
      } else {
      }
    }
    %scan3A_55 = arith.constant 12 : i32
    %add3A_56 = arith.constant 0 : i32
    %add3A_57 = arith.addi %mul3A_2, %add3A_56 : i32
    %dma_start3A_58 = arith.constant 0 : i32
    %dma_start3A_59 = tpu.memref_slice %arg3[%add3A_57, %dma_start3A_58] : memref<49152x512xf32, #tpu.memory_space<hbm>> -> memref<64x512xf32, #tpu.memory_space<hbm>>
    %dma_start3A_60 = arith.constant 0 : i32
    %dma_start3A_61 = tpu.memref_slice %arg3[%add3A_57, %dma_start3A_60] : memref<49152x512xf32, #tpu.memory_space<hbm>> -> memref<64x512xf32, #tpu.memory_space<hbm>>
    tpu.enqueue_dma source(%dma_start3A_61 : memref<64x512xf32, #tpu.memory_space<hbm>>) target(%arg6 : memref<64x512xf32, #tpu.memory_space<vmem>>) target_semaphore(%arg11 : memref<!tpu.dma_semaphore, #tpu.memory_space<semaphore_mem>>)
    %add3A_62 = arith.constant 64 : i32
    %add3A_63 = arith.addi %mul3A_2, %add3A_62 : i32
    %dma_start3A_64 = arith.constant 0 : i32
    %dma_start3A_65 = tpu.memref_slice %arg3[%add3A_63, %dma_start3A_64] : memref<49152x512xf32, #tpu.memory_space<hbm>> -> memref<64x512xf32, #tpu.memory_space<hbm>>
    %dma_start3A_66 = arith.constant 0 : i32
    %dma_start3A_67 = tpu.memref_slice %arg3[%add3A_63, %dma_start3A_66] : memref<49152x512xf32, #tpu.memory_space<hbm>> -> memref<64x512xf32, #tpu.memory_space<hbm>>
    tpu.enqueue_dma source(%dma_start3A_67 : memref<64x512xf32, #tpu.memory_space<hbm>>) target(%arg7 : memref<64x512xf32, #tpu.memory_space<vmem>>) target_semaphore(%arg12 : memref<!tpu.dma_semaphore, #tpu.memory_space<semaphore_mem>>)
    %scan3A_68 = arith.constant 0 : i32
    %scan3A_69 = arith.constant 0 : i32
    %scan3A_70 = arith.constant 12 : i32
    %scan3A_71 = arith.addi %scan3A_69, %scan3A_70 : i32
    %scan3A_72 = arith.constant 1 : i32
    scf.for %scan3A_81 = %scan3A_69 to %scan3A_71 step %scan3A_72  : i32 {
      %mul3A_82 = arith.constant 2 : i32
      %mul3A_83 = arith.muli %mul3A_82, %scan3A_81 : i32
      %add3A_84 = arith.constant 0 : i32
      %add3A_85 = arith.addi %mul3A_83, %add3A_84 : i32
      %dma_wait3A = arith.constant 0 : i32
      %dma_wait3A_86 = arith.constant 0 : i32
      %dma_wait3A_87 = tpu.memref_slice %arg3[%dma_wait3A, %dma_wait3A_86] : memref<49152x512xf32, #tpu.memory_space<hbm>> -> memref<64x512xf32, #tpu.memory_space<hbm>>
      %dma_wait3A_88 = arith.constant 0 : i32
      %dma_wait3A_89 = arith.constant 0 : i32
      %dma_wait3A_90 = tpu.memref_slice %arg3[%dma_wait3A_88, %dma_wait3A_89] : memref<49152x512xf32, #tpu.memory_space<hbm>> -> memref<64x512xf32, #tpu.memory_space<hbm>>
      tpu.wait_dma2 semaphore(%arg11 : memref<!tpu.dma_semaphore, #tpu.memory_space<semaphore_mem>>) src(%dma_wait3A_90 : memref<64x512xf32, #tpu.memory_space<hbm>>) dst(%arg6 : memref<64x512xf32, #tpu.memory_space<vmem>>)
      %parallel_loop3A = arith.constant 0 : i32
      %parallel_loop3A_91 = arith.constant 2048 : i32
      %parallel_loop3A_92 = arith.constant 1 : i32
      scf.for %parallel_loop3A_117 = %parallel_loop3A to %parallel_loop3A_91 step %parallel_loop3A_92  : i32 {
        %parallel_loop3A_118 = arith.constant 32 : i32
        %parallel_loop3A_119 = arith.divsi %parallel_loop3A_117, %parallel_loop3A_118 : i32
        %parallel_loop3A_120 = arith.constant 0 : i32
        %parallel_loop3A_121 = arith.cmpi sgt, %parallel_loop3A_117, %parallel_loop3A_120 : i32
        %parallel_loop3A_122 = arith.extui %parallel_loop3A_121 : i1 to i32
        %parallel_loop3A_123 = arith.constant 0 : i32
        %parallel_loop3A_124 = arith.cmpi slt, %parallel_loop3A_117, %parallel_loop3A_123 : i32
        %parallel_loop3A_125 = arith.extui %parallel_loop3A_124 : i1 to i32
        %parallel_loop3A_126 = arith.subi %parallel_loop3A_122, %parallel_loop3A_125 : i32
        %parallel_loop3A_127 = arith.constant 0 : i32
        %parallel_loop3A_128 = arith.cmpi sgt, %parallel_loop3A_118, %parallel_loop3A_127 : i32
        %parallel_loop3A_129 = arith.extui %parallel_loop3A_128 : i1 to i32
        %parallel_loop3A_130 = arith.constant 0 : i32
        %parallel_loop3A_131 = arith.cmpi slt, %parallel_loop3A_118, %parallel_loop3A_130 : i32
        %parallel_loop3A_132 = arith.extui %parallel_loop3A_131 : i1 to i32
        %parallel_loop3A_133 = arith.subi %parallel_loop3A_129, %parallel_loop3A_132 : i32
        %parallel_loop3A_134 = arith.cmpi ne, %parallel_loop3A_126, %parallel_loop3A_133 : i32
        %parallel_loop3A_135 = arith.remsi %parallel_loop3A_117, %parallel_loop3A_118 : i32
        %parallel_loop3A_136 = arith.constant 0 : i32
        %parallel_loop3A_137 = arith.cmpi ne, %parallel_loop3A_135, %parallel_loop3A_136 : i32
        %parallel_loop3A_138 = arith.andi %parallel_loop3A_134, %parallel_loop3A_137 : i1
        %parallel_loop3A_139 = arith.constant 1 : i32
        %parallel_loop3A_140 = arith.subi %parallel_loop3A_119, %parallel_loop3A_139 : i32
        %parallel_loop3A_141 = arith.select %parallel_loop3A_138, %parallel_loop3A_140, %parallel_loop3A_119 : i32
        %parallel_loop3A_142 = arith.constant 32 : i32
        %parallel_loop3A_143 = arith.constant 0 : i32
        %parallel_loop3A_144 = arith.cmpi eq, %parallel_loop3A_142, %parallel_loop3A_143 : i32
        %parallel_loop3A_145 = arith.constant 1 : i32
        %parallel_loop3A_146 = arith.select %parallel_loop3A_144, %parallel_loop3A_145, %parallel_loop3A_142 : i32
        %parallel_loop3A_147 = arith.remsi %parallel_loop3A_117, %parallel_loop3A_146 : i32
        %parallel_loop3A_148 = arith.constant 0 : i32
        %parallel_loop3A_149 = arith.cmpi ne, %parallel_loop3A_147, %parallel_loop3A_148 : i32
        %parallel_loop3A_150 = arith.constant 0 : i32
        %parallel_loop3A_151 = arith.cmpi slt, %parallel_loop3A_147, %parallel_loop3A_150 : i32
        %parallel_loop3A_152 = arith.constant 0 : i32
        %parallel_loop3A_153 = arith.cmpi slt, %parallel_loop3A_146, %parallel_loop3A_152 : i32
        %parallel_loop3A_154 = arith.xori %parallel_loop3A_151, %parallel_loop3A_153 : i1
        %parallel_loop3A_155 = arith.andi %parallel_loop3A_154, %parallel_loop3A_149 : i1
        %parallel_loop3A_156 = arith.addi %parallel_loop3A_147, %parallel_loop3A_146 : i32
        %parallel_loop3A_157 = arith.select %parallel_loop3A_155, %parallel_loop3A_156, %parallel_loop3A_147 : i32
        %parallel_loop3A_158 = arith.constant 16 : i32
        %parallel_loop3A_159 = arith.muli %parallel_loop3A_157, %parallel_loop3A_158 : i32
        %parallel_loop3A_160 = arith.index_cast %parallel_loop3A_141 : i32 to index
        %parallel_loop3A_161 = arith.index_cast %parallel_loop3A_159 : i32 to index
        %parallel_loop3A_162 = tpu.vector_load %arg6[%parallel_loop3A_160, %parallel_loop3A_161] {strides = array<i32>} : memref<64x512xf32, #tpu.memory_space<vmem>>, vector<16xf32>,
        %parallel_loop3A_163 = arith.subf %parallel_loop3A_162, %broadcast_in_dim3A_19 : vector<16xf32>
        %parallel_loop3A_164 = arith.divf %parallel_loop3A_163, %broadcast_in_dim3A_20 : vector<16xf32>
        %parallel_loop3A_165 = arith.constant 1.000000e+02 : f32
        %parallel_loop3A_166 = vector.broadcast %parallel_loop3A_165 : f32 to vector<16xf32>
        %parallel_loop3A_167 = arith.mulf %parallel_loop3A_164, %parallel_loop3A_166 : vector<16xf32>
        %parallel_loop3A_168 = arith.fptosi %parallel_loop3A_167 : vector<16xf32> to vector<16xi32>
        %parallel_loop3A_169 = vector.bitcast %parallel_loop3A_168 : vector<16xi32> to vector<16xi32>
        %parallel_loop3A_170 = arith.cmpf oge, %parallel_loop3A_162, %broadcast_in_dim3A_19 : vector<16xf32>
        %parallel_loop3A_171 = arith.constant 100 : i32
        %parallel_loop3A_172 = vector.broadcast %parallel_loop3A_171 : i32 to vector<16xi32>
        %parallel_loop3A_173 = arith.cmpi ule, %parallel_loop3A_169, %parallel_loop3A_172 : vector<16xi32>
        %parallel_loop3A_174 = arith.andi %parallel_loop3A_170, %parallel_loop3A_173 : vector<16xi1>
        tpu.vector_store_idx %arg9[%parallel_loop3A_168, %iota3A], %broadcast_in_dim3A_22 masked %parallel_loop3A_174 {add = true} : memref<101x16xf32, #tpu.memory_space<vmem>>[vector<16xi32>, vector<16xi32>], vector<16xf32>, vector<16xi1>
      } {sc.loop_unroll_factor = 8 : i64, sc.parallel_access}
      %add3A_93 = arith.constant 2 : i32
      %add3A_94 = arith.addi %add3A_85, %add3A_93 : i32
      %lt3A = arith.constant 24 : i32
      %lt3A_95 = arith.cmpi slt, %add3A_94, %lt3A : i32
      %convert_element_type3A = arith.extui %lt3A_95 : i1 to i32
      %cond3A = arith.constant 0 : i32
      %cond3A_96 = arith.cmpi ne, %convert_element_type3A, %cond3A : i32
      scf.if %cond3A_96 {
        %add3A_117 = arith.constant 2 : i32
        %add3A_118 = arith.addi %add3A_85, %add3A_117 : i32
        %mul3A_119 = arith.constant 64 : i32
        %mul3A_120 = arith.muli %add3A_118, %mul3A_119 : i32
        %add3A_121 = arith.addi %mul3A_2, %mul3A_120 : i32
        %dma_start3A_122 = arith.constant 0 : i32
        %dma_start3A_123 = tpu.memref_slice %arg3[%add3A_121, %dma_start3A_122] : memref<49152x512xf32, #tpu.memory_space<hbm>> -> memref<64x512xf32, #tpu.memory_space<hbm>>
        %dma_start3A_124 = arith.constant 0 : i32
        %dma_start3A_125 = tpu.memref_slice %arg3[%add3A_121, %dma_start3A_124] : memref<49152x512xf32, #tpu.memory_space<hbm>> -> memref<64x512xf32, #tpu.memory_space<hbm>>
        tpu.enqueue_dma source(%dma_start3A_125 : memref<64x512xf32, #tpu.memory_space<hbm>>) target(%arg6 : memref<64x512xf32, #tpu.memory_space<vmem>>) target_semaphore(%arg11 : memref<!tpu.dma_semaphore, #tpu.memory_space<semaphore_mem>>)
      } else {
      }
      %mul3A_97 = arith.constant 2 : i32
      %mul3A_98 = arith.muli %mul3A_97, %scan3A_81 : i32
      %add3A_99 = arith.constant 1 : i32
      %add3A_100 = arith.addi %mul3A_98, %add3A_99 : i32
      %dma_wait3A_101 = arith.constant 0 : i32
      %dma_wait3A_102 = arith.constant 0 : i32
      %dma_wait3A_103 = tpu.memref_slice %arg3[%dma_wait3A_101, %dma_wait3A_102] : memref<49152x512xf32, #tpu.memory_space<hbm>> -> memref<64x512xf32, #tpu.memory_space<hbm>>
      %dma_wait3A_104 = arith.constant 0 : i32
      %dma_wait3A_105 = arith.constant 0 : i32
      %dma_wait3A_106 = tpu.memref_slice %arg3[%dma_wait3A_104, %dma_wait3A_105] : memref<49152x512xf32, #tpu.memory_space<hbm>> -> memref<64x512xf32, #tpu.memory_space<hbm>>
      tpu.wait_dma2 semaphore(%arg12 : memref<!tpu.dma_semaphore, #tpu.memory_space<semaphore_mem>>) src(%dma_wait3A_106 : memref<64x512xf32, #tpu.memory_space<hbm>>) dst(%arg7 : memref<64x512xf32, #tpu.memory_space<vmem>>)
      %parallel_loop3A_107 = arith.constant 0 : i32
      %parallel_loop3A_108 = arith.constant 2048 : i32
      %parallel_loop3A_109 = arith.constant 1 : i32
      scf.for %parallel_loop3A_117 = %parallel_loop3A_107 to %parallel_loop3A_108 step %parallel_loop3A_109  : i32 {
        %parallel_loop3A_118 = arith.constant 32 : i32
        %parallel_loop3A_119 = arith.divsi %parallel_loop3A_117, %parallel_loop3A_118 : i32
        %parallel_loop3A_120 = arith.constant 0 : i32
        %parallel_loop3A_121 = arith.cmpi sgt, %parallel_loop3A_117, %parallel_loop3A_120 : i32
        %parallel_loop3A_122 = arith.extui %parallel_loop3A_121 : i1 to i32
        %parallel_loop3A_123 = arith.constant 0 : i32
        %parallel_loop3A_124 = arith.cmpi slt, %parallel_loop3A_117, %parallel_loop3A_123 : i32
        %parallel_loop3A_125 = arith.extui %parallel_loop3A_124 : i1 to i32
        %parallel_loop3A_126 = arith.subi %parallel_loop3A_122, %parallel_loop3A_125 : i32
        %parallel_loop3A_127 = arith.constant 0 : i32
        %parallel_loop3A_128 = arith.cmpi sgt, %parallel_loop3A_118, %parallel_loop3A_127 : i32
        %parallel_loop3A_129 = arith.extui %parallel_loop3A_128 : i1 to i32
        %parallel_loop3A_130 = arith.constant 0 : i32
        %parallel_loop3A_131 = arith.cmpi slt, %parallel_loop3A_118, %parallel_loop3A_130 : i32
        %parallel_loop3A_132 = arith.extui %parallel_loop3A_131 : i1 to i32
        %parallel_loop3A_133 = arith.subi %parallel_loop3A_129, %parallel_loop3A_132 : i32
        %parallel_loop3A_134 = arith.cmpi ne, %parallel_loop3A_126, %parallel_loop3A_133 : i32
        %parallel_loop3A_135 = arith.remsi %parallel_loop3A_117, %parallel_loop3A_118 : i32
        %parallel_loop3A_136 = arith.constant 0 : i32
        %parallel_loop3A_137 = arith.cmpi ne, %parallel_loop3A_135, %parallel_loop3A_136 : i32
        %parallel_loop3A_138 = arith.andi %parallel_loop3A_134, %parallel_loop3A_137 : i1
        %parallel_loop3A_139 = arith.constant 1 : i32
        %parallel_loop3A_140 = arith.subi %parallel_loop3A_119, %parallel_loop3A_139 : i32
        %parallel_loop3A_141 = arith.select %parallel_loop3A_138, %parallel_loop3A_140, %parallel_loop3A_119 : i32
        %parallel_loop3A_142 = arith.constant 32 : i32
        %parallel_loop3A_143 = arith.constant 0 : i32
        %parallel_loop3A_144 = arith.cmpi eq, %parallel_loop3A_142, %parallel_loop3A_143 : i32
        %parallel_loop3A_145 = arith.constant 1 : i32
        %parallel_loop3A_146 = arith.select %parallel_loop3A_144, %parallel_loop3A_145, %parallel_loop3A_142 : i32
        %parallel_loop3A_147 = arith.remsi %parallel_loop3A_117, %parallel_loop3A_146 : i32
        %parallel_loop3A_148 = arith.constant 0 : i32
        %parallel_loop3A_149 = arith.cmpi ne, %parallel_loop3A_147, %parallel_loop3A_148 : i32
        %parallel_loop3A_150 = arith.constant 0 : i32
        %parallel_loop3A_151 = arith.cmpi slt, %parallel_loop3A_147, %parallel_loop3A_150 : i32
        %parallel_loop3A_152 = arith.constant 0 : i32
        %parallel_loop3A_153 = arith.cmpi slt, %parallel_loop3A_146, %parallel_loop3A_152 : i32
        %parallel_loop3A_154 = arith.xori %parallel_loop3A_151, %parallel_loop3A_153 : i1
        %parallel_loop3A_155 = arith.andi %parallel_loop3A_154, %parallel_loop3A_149 : i1
        %parallel_loop3A_156 = arith.addi %parallel_loop3A_147, %parallel_loop3A_146 : i32
        %parallel_loop3A_157 = arith.select %parallel_loop3A_155, %parallel_loop3A_156, %parallel_loop3A_147 : i32
        %parallel_loop3A_158 = arith.constant 16 : i32
        %parallel_loop3A_159 = arith.muli %parallel_loop3A_157, %parallel_loop3A_158 : i32
        %parallel_loop3A_160 = arith.index_cast %parallel_loop3A_141 : i32 to index
        %parallel_loop3A_161 = arith.index_cast %parallel_loop3A_159 : i32 to index
        %parallel_loop3A_162 = tpu.vector_load %arg7[%parallel_loop3A_160, %parallel_loop3A_161] {strides = array<i32>} : memref<64x512xf32, #tpu.memory_space<vmem>>, vector<16xf32>,
        %parallel_loop3A_163 = arith.subf %parallel_loop3A_162, %broadcast_in_dim3A_19 : vector<16xf32>
        %parallel_loop3A_164 = arith.divf %parallel_loop3A_163, %broadcast_in_dim3A_20 : vector<16xf32>
        %parallel_loop3A_165 = arith.constant 1.000000e+02 : f32
        %parallel_loop3A_166 = vector.broadcast %parallel_loop3A_165 : f32 to vector<16xf32>
        %parallel_loop3A_167 = arith.mulf %parallel_loop3A_164, %parallel_loop3A_166 : vector<16xf32>
        %parallel_loop3A_168 = arith.fptosi %parallel_loop3A_167 : vector<16xf32> to vector<16xi32>
        %parallel_loop3A_169 = vector.bitcast %parallel_loop3A_168 : vector<16xi32> to vector<16xi32>
        %parallel_loop3A_170 = arith.cmpf oge, %parallel_loop3A_162, %broadcast_in_dim3A_19 : vector<16xf32>
        %parallel_loop3A_171 = arith.constant 100 : i32
        %parallel_loop3A_172 = vector.broadcast %parallel_loop3A_171 : i32 to vector<16xi32>
        %parallel_loop3A_173 = arith.cmpi ule, %parallel_loop3A_169, %parallel_loop3A_172 : vector<16xi32>
        %parallel_loop3A_174 = arith.andi %parallel_loop3A_170, %parallel_loop3A_173 : vector<16xi1>
        tpu.vector_store_idx %arg9[%parallel_loop3A_168, %iota3A], %broadcast_in_dim3A_22 masked %parallel_loop3A_174 {add = true} : memref<101x16xf32, #tpu.memory_space<vmem>>[vector<16xi32>, vector<16xi32>], vector<16xf32>, vector<16xi1>
      } {sc.loop_unroll_factor = 8 : i64, sc.parallel_access}
      %add3A_110 = arith.constant 2 : i32
      %add3A_111 = arith.addi %add3A_100, %add3A_110 : i32
      %lt3A_112 = arith.constant 24 : i32
      %lt3A_113 = arith.cmpi slt, %add3A_111, %lt3A_112 : i32
      %convert_element_type3A_114 = arith.extui %lt3A_113 : i1 to i32
      %cond3A_115 = arith.constant 0 : i32
      %cond3A_116 = arith.cmpi ne, %convert_element_type3A_114, %cond3A_115 : i32
      scf.if %cond3A_116 {
        %add3A_117 = arith.constant 2 : i32
        %add3A_118 = arith.addi %add3A_100, %add3A_117 : i32
        %mul3A_119 = arith.constant 64 : i32
        %mul3A_120 = arith.muli %add3A_118, %mul3A_119 : i32
        %add3A_121 = arith.addi %mul3A_2, %mul3A_120 : i32
        %dma_start3A_122 = arith.constant 0 : i32
        %dma_start3A_123 = tpu.memref_slice %arg3[%add3A_121, %dma_start3A_122] : memref<49152x512xf32, #tpu.memory_space<hbm>> -> memref<64x512xf32, #tpu.memory_space<hbm>>
        %dma_start3A_124 = arith.constant 0 : i32
        %dma_start3A_125 = tpu.memref_slice %arg3[%add3A_121, %dma_start3A_124] : memref<49152x512xf32, #tpu.memory_space<hbm>> -> memref<64x512xf32, #tpu.memory_space<hbm>>
        tpu.enqueue_dma source(%dma_start3A_125 : memref<64x512xf32, #tpu.memory_space<hbm>>) target(%arg7 : memref<64x512xf32, #tpu.memory_space<vmem>>) target_semaphore(%arg12 : memref<!tpu.dma_semaphore, #tpu.memory_space<semaphore_mem>>)
      } else {
      }
    }
    %scan3A_73 = arith.constant 12 : i32
    %mul3A_74 = arith.constant 2 : i32
    %mul3A_75 = arith.muli %arg1, %mul3A_74 : i32
    %add3A_76 = arith.addi %mul3A_75, %arg0 : i32
    %run_scoped3A = arith.constant 0 : i32
    "tpu.region"() ({
      %run_scoped3A_81 = tpu.sem_alloc : memref<!tpu.dma_semaphore, #tpu.memory_space<semaphore_mem>>
      %dma_start3A_82 = arith.constant 0 : i32
      %dma_start3A_83 = arith.constant 0 : i32
      %dma_start3A_84 = tpu.memref_slice %arg5[%add3A_76, %run_scoped3A, %dma_start3A_82, %dma_start3A_83] : memref<32x2x101x16xf32, #tpu.memory_space<hbm>> -> memref<1x1x101x16xf32, #tpu.memory_space<hbm>>
      %dma_start3A_85 = tpu.memref_squeeze %dma_start3A_84 : memref<1x1x101x16xf32, #tpu.memory_space<hbm>> -> memref<101x16xf32, #tpu.memory_space<hbm>>
      %dma_start3A_86 = arith.constant 0 : i32
      %dma_start3A_87 = arith.constant 0 : i32
      %dma_start3A_88 = tpu.memref_slice %arg5[%add3A_76, %run_scoped3A, %dma_start3A_86, %dma_start3A_87] : memref<32x2x101x16xf32, #tpu.memory_space<hbm>> -> memref<1x1x101x16xf32, #tpu.memory_space<hbm>>
      %dma_start3A_89 = tpu.memref_squeeze %dma_start3A_88 : memref<1x1x101x16xf32, #tpu.memory_space<hbm>> -> memref<101x16xf32, #tpu.memory_space<hbm>>
      tpu.enqueue_dma source(%arg8 : memref<101x16xf32, #tpu.memory_space<vmem>>) target(%dma_start3A_89 : memref<101x16xf32, #tpu.memory_space<hbm>>) target_semaphore(%run_scoped3A_81 : memref<!tpu.dma_semaphore, #tpu.memory_space<semaphore_mem>>)
      %dma_wait3A = arith.constant 0 : i32
      %dma_wait3A_90 = arith.constant 0 : i32
      %dma_wait3A_91 = tpu.memref_slice %arg5[%add3A_76, %run_scoped3A, %dma_wait3A, %dma_wait3A_90] : memref<32x2x101x16xf32, #tpu.memory_space<hbm>> -> memref<1x1x101x16xf32, #tpu.memory_space<hbm>>
      %dma_wait3A_92 = tpu.memref_squeeze %dma_wait3A_91 : memref<1x1x101x16xf32, #tpu.memory_space<hbm>> -> memref<101x16xf32, #tpu.memory_space<hbm>>
      %dma_wait3A_93 = arith.constant 0 : i32
      %dma_wait3A_94 = arith.constant 0 : i32
      %dma_wait3A_95 = tpu.memref_slice %arg5[%add3A_76, %run_scoped3A, %dma_wait3A_93, %dma_wait3A_94] : memref<32x2x101x16xf32, #tpu.memory_space<hbm>> -> memref<1x1x101x16xf32, #tpu.memory_space<hbm>>
      %dma_wait3A_96 = tpu.memref_squeeze %dma_wait3A_95 : memref<1x1x101x16xf32, #tpu.memory_space<hbm>> -> memref<101x16xf32, #tpu.memory_space<hbm>>
      tpu.wait_dma2 semaphore(%run_scoped3A_81 : memref<!tpu.dma_semaphore, #tpu.memory_space<semaphore_mem>>) src(%arg8 : memref<101x16xf32, #tpu.memory_space<vmem>>) dst(%dma_wait3A_96 : memref<101x16xf32, #tpu.memory_space<hbm>>)
      tpu.yield
    }) : () -> ()
    %mul3A_77 = arith.constant 2 : i32
    %mul3A_78 = arith.muli %arg1, %mul3A_77 : i32
    %add3A_79 = arith.addi %mul3A_78, %arg0 : i32
    %run_scoped3A_80 = arith.constant 1 : i32
    "tpu.region"() ({
      %run_scoped3A_81 = tpu.sem_alloc : memref<!tpu.dma_semaphore, #tpu.memory_space<semaphore_mem>>
      %dma_start3A_82 = arith.constant 0 : i32
      %dma_start3A_83 = arith.constant 0 : i32
      %dma_start3A_84 = tpu.memref_slice %arg5[%add3A_79, %run_scoped3A_80, %dma_start3A_82, %dma_start3A_83] : memref<32x2x101x16xf32, #tpu.memory_space<hbm>> -> memref<1x1x101x16xf32, #tpu.memory_space<hbm>>
      %dma_start3A_85 = tpu.memref_squeeze %dma_start3A_84 : memref<1x1x101x16xf32, #tpu.memory_space<hbm>> -> memref<101x16xf32, #tpu.memory_space<hbm>>
      %dma_start3A_86 = arith.constant 0 : i32
      %dma_start3A_87 = arith.constant 0 : i32
      %dma_start3A_88 = tpu.memref_slice %arg5[%add3A_79, %run_scoped3A_80, %dma_start3A_86, %dma_start3A_87] : memref<32x2x101x16xf32, #tpu.memory_space<hbm>> -> memref<1x1x101x16xf32, #tpu.memory_space<hbm>>
      %dma_start3A_89 = tpu.memref_squeeze %dma_start3A_88 : memref<1x1x101x16xf32, #tpu.memory_space<hbm>> -> memref<101x16xf32, #tpu.memory_space<hbm>>
      tpu.enqueue_dma source(%arg9 : memref<101x16xf32, #tpu.memory_space<vmem>>) target(%dma_start3A_89 : memref<101x16xf32, #tpu.memory_space<hbm>>) target_semaphore(%run_scoped3A_81 : memref<!tpu.dma_semaphore, #tpu.memory_space<semaphore_mem>>)
      %dma_wait3A = arith.constant 0 : i32
      %dma_wait3A_90 = arith.constant 0 : i32
      %dma_wait3A_91 = tpu.memref_slice %arg5[%add3A_79, %run_scoped3A_80, %dma_wait3A, %dma_wait3A_90] : memref<32x2x101x16xf32, #tpu.memory_space<hbm>> -> memref<1x1x101x16xf32, #tpu.memory_space<hbm>>
      %dma_wait3A_92 = tpu.memref_squeeze %dma_wait3A_91 : memref<1x1x101x16xf32, #tpu.memory_space<hbm>> -> memref<101x16xf32, #tpu.memory_space<hbm>>
      %dma_wait3A_93 = arith.constant 0 : i32
      %dma_wait3A_94 = arith.constant 0 : i32
      %dma_wait3A_95 = tpu.memref_slice %arg5[%add3A_79, %run_scoped3A_80, %dma_wait3A_93, %dma_wait3A_94] : memref<32x2x101x16xf32, #tpu.memory_space<hbm>> -> memref<1x1x101x16xf32, #tpu.memory_space<hbm>>
      %dma_wait3A_96 = tpu.memref_squeeze %dma_wait3A_95 : memref<1x1x101x16xf32, #tpu.memory_space<hbm>> -> memref<101x16xf32, #tpu.memory_space<hbm>>
      tpu.wait_dma2 semaphore(%run_scoped3A_81 : memref<!tpu.dma_semaphore, #tpu.memory_space<semaphore_mem>>) src(%arg9 : memref<101x16xf32, #tpu.memory_space<vmem>>) dst(%dma_wait3A_96 : memref<101x16xf32, #tpu.memory_space<hbm>>)
      tpu.yield
    }) : () -> ()
    return
  }
}

</mosaic_0001>

<sc_bundles>
// kernel: kernel.4.cloned.1.call-start
scs
__scs_entry_jumppad:
0x0: {  	(pc) =	sbr.rel $0x88, $3  }
0x1: {  	(tag) =	ssettag $0x0;
	lr =	simm.s32 $0x1  }
0x2: {  	[smem:$0x3F9F] =	sst lr;
	_ =	strace $0xD0000000  }
0x3: {  	_ = 	snop  }
0x4: {  	_ = 	snop  }
0x5: {  	_ = 	snop  }
0x6: {  	_ = 	snop  }
0x7: {  	_ = 	snop  }
__scs_overlays_trampoline_lowered:
0x8: {  	[smem:$0x3FAE] =	sst s0  }
0x9: {  	[smem:$0x3FAF] =	sst s1  }
0xa: {  	[smem:$0x3FB0] =	sst s2  }
0xb: {  	[smem:$0x3FB1] =	sst s3  }
0xc: {  	[smem:$0x3FB2] =	sst s4  }
0xd: {  	[smem:$0x3FB3] =	sst s5  }
0xe: {  	[smem:$0x3FB4] =	sst s6  }
0xf: {  	[smem:$0x3FB5] =	sst s7  }
0x10: {  	[smem:$0x3FB6] =	sst s8  }
0x11: {  	[smem:$0x3FB7] =	sst s9;
	s0 =	simm.s32 @!p0 $0x0  }
0x12: {  	s1 =	sld [smem:$0x3F9D];
	s0 =	simm.s32 @p0 $0x1  }
0x13: {  	[smem:$0x3FB8] =	sst s0;
	s0 =	simm.s32 @!p1 $0x0  }
0x14: {  	s2 =	sld [smem:$0x3F9C];
	s0 =	simm.s32 @p1 $0x1  }
0x15: {  	[smem:$0x3FB9] =	sst s0;
	s0 =	simm.s32 @!p2 $0x0  }
0x16: {  	s3 =	sld [smem:$0x3FDB];
	s0 =	simm.s32 @p2 $0x1  }
0x17: {  	s4 =	simm.s32 $0x1BF5;
	[smem:$0x3FBB] =	sst s0  }
0x18: {  	s0 =	sld [smem:$0x3F9E];
	_ =	swait.ge [sflag:s4], $0x0  }
0x19: {  	s7 =	sld [smem:$0x3F9F]  }
0x1a: {  	s8 =	sadd.s32 $0xFFFFE003, lr  }
0x1b: {  	s9 =	sadd.s32 $0xFFFFFEF7, lr;
	s5 =	simm.s32 $0xFFFFFFFF;
	p2 =	slt.u32 s8, $0xFFFFF086  }
0x1c: {  	p1 =	slt.u32 s9, $0xF7A;
	s5 =	simm.s32 @!p2 $0x0  }
0x1d: {  	s5 =	simm.s32 @p1 $0x1;
	p0 =	seq.s32 s7, s2  }
0x1e: {  	s7 =	smul.u32 @!p0 $0xF7A, s2;
	p2 =	seq.s32 @!p0 s5, $0x0  }
0x1f: {  	s9 =	smul.u32 $0xF7A, s1;
	s8 =	simm.s32 @!p0 $0x1BF5;
	p2 =	por !p2, p0  }
0x20: {  	[sflag:s8] =	ssyncset.s32 @!p0 $0xFFFFF086;
	s6 =	sadd.s32 @!p0 s3, s7;
	s7 =	simm.s32 @!p0 $0x108  }
0x21: {  	s3 =	sadd.s32 s3, s9;
	s6 =	sadd.s32 @!p0 $0x88, s6;
	s7 =	simm.s32 @p2 $0x1082  }
0x22: {  	[simem:s7], [sflag:s8] =	dma.local @!p0 [hbm:s6], $0xF7A  }
0x23: {  	s9 =	sor.u32 $0xD0000000, s2;
	s6 =	simm.s32 $0x108;
	_ =	swait.ge @!p0 [sflag:s8], $0x0  }
0x24: {  	s3 =	sadd.s32 $0x88, s3;
	s6 =	simm.s32 @!p1 $0x1082;
	[sflag:s4] =	ssyncset.s32 $0xFFFFF086  }
0x25: {  	[simem:s6], [sflag:s4] =	dma.local [hbm:s3], $0xF7A  }
0x26: {  	[smem:$0x3F9F] =	sst s1;
	(tag) =	ssettag s2;
	_ =	strace s9  }
0x27: {  	s1 =	sld [smem:$0x3FAF]  }
0x28: {  	s2 =	sld [smem:$0x3FB0]  }
0x29: {  	s4 =	sld [smem:$0x3FB2]  }
0x2a: {  	p0 =	seq.s32 s5, $0x0;
	s5 =	sld [smem:$0x3FB3]  }
0x2b: {  	s6 =	sld [smem:$0x3FB4]  }
0x2c: {  	s7 =	sld [smem:$0x3FB5]  }
0x2d: {  	s3 =	simm.s32 $0x108;
	s8 =	sld [smem:$0x3FB6]  }
0x2e: {  	s3 =	simm.s32 @!p0 $0x1082;
	s9 =	sld [smem:$0x3FB7]  }
0x2f: {  	lr =	sadd.s32 s0, s3;
	s0 =	sld [smem:$0x3FAE]  }
0x30: {  	s3 =	sld [smem:$0x3FB1]  }
0x31: {  	[smem:$0x3FBA] =	sst s10  }
0x32: {  	s10 =	sld [smem:$0x3FB8];
	_ =	sdelay $0x3  }
0x33: {  	p0 =	seq.s32 s10, $0x1;
	s10 =	sld [smem:$0x3FBA];
	_ =	sdelay $0x3  }
0x34: {  	[smem:$0x3FBA] =	sst s10  }
0x35: {  	s10 =	sld [smem:$0x3FB9];
	_ =	sdelay $0x3  }
0x36: {  	p1 =	seq.s32 s10, $0x1;
	s10 =	sld [smem:$0x3FBA];
	_ =	sdelay $0x3  }
0x37: {  	[smem:$0x3FBA] =	sst s10  }
0x38: {  	s10 =	sld [smem:$0x3FBB]  }
0x39: {  	_ = 	snop;
	(pc) =	sbr.ind lr, $3  }
0x3a: {  	_ = 	snop  }
0x3b: {  	_ = 	snop  }
0x3c: {  	p2 =	seq.s32 s10, $0x1;
	s10 =	sld [smem:$0x3FBA]  }
0x3d: {  	_ =	shalt  }
0x3e: {  	_ =	shalt  }
0x3f: {  	_ =	shalt  }
0x40: {  	_ =	shalt  }
0x41: {  	_ =	shalt  }
0x42: {  	_ =	shalt  }
0x43: {  	_ =	shalt  }
0x44: {  	_ =	shalt  }
0x45: {  	_ =	shalt  }
0x46: {  	_ =	shalt  }
0x47: {  	_ =	shalt  }
0x48: {  	_ =	shalt  }
0x49: {  	_ =	shalt  }
0x4a: {  	_ =	shalt  }
0x4b: {  	_ =	shalt  }
0x4c: {  	_ =	shalt  }
0x4d: {  	_ =	shalt  }
0x4e: {  	_ =	shalt  }
0x4f: {  	_ =	shalt  }
0x50: {  	_ =	shalt  }
0x51: {  	_ =	shalt  }
0x52: {  	_ =	shalt  }
0x53: {  	_ =	shalt  }
0x54: {  	_ =	shalt  }
0x55: {  	_ =	shalt  }
0x56: {  	_ =	shalt  }
0x57: {  	_ =	shalt  }
0x58: {  	_ =	shalt  }
0x59: {  	_ =	shalt  }
0x5a: {  	_ =	shalt  }
0x5b: {  	_ =	shalt  }
0x5c: {  	_ =	shalt  }
0x5d: {  	_ =	shalt  }
0x5e: {  	_ =	shalt  }
0x5f: {  	_ =	shalt  }
0x60: {  	_ =	shalt  }
0x61: {  	_ =	shalt  }
0x62: {  	_ =	shalt  }
0x63: {  	_ =	shalt  }
0x64: {  	_ =	shalt  }
0x65: {  	_ =	shalt  }
0x66: {  	_ =	shalt  }
0x67: {  	_ =	shalt  }
0x68: {  	_ =	shalt  }
0x69: {  	_ =	shalt  }
0x6a: {  	_ =	shalt  }
0x6b: {  	_ =	shalt  }
0x6c: {  	_ =	shalt  }
0x6d: {  	_ =	shalt  }
0x6e: {  	_ =	shalt  }
0x6f: {  	_ =	shalt  }
0x70: {  	_ =	shalt  }
0x71: {  	_ =	shalt  }
0x72: {  	_ =	shalt  }
0x73: {  	_ =	shalt  }
0x74: {  	_ =	shalt  }
0x75: {  	_ =	shalt  }
0x76: {  	_ =	shalt  }
0x77: {  	_ =	shalt  }
0x78: {  	_ =	shalt  }
0x79: {  	_ =	shalt  }
0x7a: {  	_ =	shalt  }
0x7b: {  	_ =	shalt  }
0x7c: {  	_ =	shalt  }
0x7d: {  	_ =	shalt  }
0x7e: {  	_ =	shalt  }
0x7f: {  	_ =	shalt  }
0x80: {  	_ =	shalt  }
0x81: {  	_ =	shalt  }
0x82: {  	_ =	shalt  }
0x83: {  	_ =	shalt  }
0x84: {  	_ =	shalt  }
0x85: {  	_ =	shalt  }
0x86: {  	_ =	shalt  }
0x87: {  	_ =	shalt  }
.Lfunc_end0:
.L_simem_size_0:
called_computation_lowered:
.L_overlay_start_0:
0x88: {  	s2 =	sld [smem:$0x3FD9]  }
0x89: {  	s3 =	sld [smem:$0x3FFE];
	_ =	sdelay $0x1  }
0x8a: {  	s1 =	srdreg.scid  }
0x8b: {  	s0 =	sand.u32 $0x1, s1  }
0x8c: {  	s17 =	sshll.u32 s0, $0xA;
	s2 =	sadd.s32 s3, s2  }
0x8d: {  	s2 =	sadd.s32 s2, s17  }
0x8e: {  	[smem:$0x3FC6] =	sst s2  }
0x8f: {  	_ = 	snop  }
0x90: {  	s2 =	sld [smem:$0x3FC9]  }
0x91: {  	s18 =	sld [smem:$0x3FC8];
	(tm) =	ssettm $0x1  }
0x92: {  	s4 =	sld [smem:$0x3FFB];
	_ =	sdelay $0x3  }
0x93: {  	_ =	strace s4  }
0x94: {  	s4 =	sld [smem:$0x3FFC];
	_ =	sdelay $0x3  }
0x95: {  	_ =	strace s4  }
0x96: {  	s4 =	sld [smem:$0x3FFD];
	_ =	sdelay $0x3  }
0x97: {  	_ =	strace s4  }
0x98: {  	_ =	strace $0x8FFFFFFF  }
0x99: {  	s19 =	sld [smem:$0x3FDB];
	_ =	sdelay $0x1  }
0x9a: {  	s5 =	simm.s32 $_scs_section_size  }
0x9b: {  	s6 =	simm.s32 $_size__tile_overlayer_lowered;
	s7 =	simm.s32 $_tile_overlayer_lowered  }
0x9c: {  	s22 =	simm.s32 $0x1BFF;
	s21 =	sshll.u32 s7, $0x1;
	s4 =	sadd.s32 s5, s19  }
0x9d: {  	s8 =	simm.s32 $0x0;
	s20 =	sshll.u32 s6, $0x1;
	s6 =	sadd.s32 s21, s4  }
0x9e: {  	[timem:s8], [sflag:s22] =	dma.local [hbm:s6], s20  }
0x9f: {  	_ =	swait.ge [sflag:s22], s20  }
0xa0: {  	s5 =	ssub.s32 $0x0, s20;
	[sflag:s22] =	ssyncset.done $0x0  }
0xa1: {  	[sflag:s22] =	ssyncadd.s32 s5;
	_ =	sdelay $0x1  }
0xa2: {  	s23 =	simm.s32 $0x1B8B  }
0xa3: {  	_ =	swait.ge [sflag:s23], $0x1  }
0xa4: {  	[sflag:s23] =	ssyncset.done $0x0  }
0xa5: {  	s25 =	simm.s32 $0x1B8E;
	s24 =	sld [smem:$0x3FFE];
	[sflag:s23] =	ssyncadd.s32 $0xFFFFFFFF  }
0xa6: {  	s26 =	simm.s32 $execute0_lowered;
	[smem:$0x3FD2] =	sst s25  }
0xa7: {  	s6 =	sshll.u32 s26, $0x1;
	_ =	strace $0x80000046;
	[dreg:$0x1] =	wrdreg $0xFFFFFFFF  }
0xa8: {  	s28 =	simm.s32 $_size_execute0_lowered;
	s4 =	sadd.s32 s4, s6;
	[dreg:$0x0] =	wrdreg $0x0  }
0xa9: {  	s6 =	sshll.u32 s28, $0x1;
	[dreg:$0x2] =	wrdreg s4  }
0xaa: {  	[dreg:$0x3] =	wrdreg s6  }
0xab: {  	[dreg:$0x4] =	wrdreg $0xC0  }
0xac: {  	_ =	task [dreg:s8], $0x5FFFF  }
0xad: {  	[dreg:$0x1] =	wrdreg $0xFFFFFFFF  }
0xae: {  	[dreg:$0x0] =	wrdreg $0x60  }
0xaf: {  	[dreg:$0x2] =	wrdreg s2  }
0xb0: {  	[dreg:$0x3] =	wrdreg s18  }
0xb1: {  	[dreg:$0x4] =	wrdreg s24  }
0xb2: {  	[dreg:$0x5] =	wrdreg $0x9  }
0xb3: {  	_ =	task.clear_ibuf [dreg:s8], $0x6FFFF;
	_ =	strace $0x90000046  }
0xb4: {  	s29 =	simm.s32 $0x9;
	_ =	strace $0x80000048  }
0xb5: {  	_ =	swait.ge [sflag:s29], $0x1  }
0xb6: {  	[sflag:s29] =	ssyncadd.s32 $0xFFFFFFFF  }
0xb7: {  	_ =	strace $0x90000048  }
0xb8: {  	_ =	sfence  }
0xb9: {  	s30 =	sld [smem:$0x0];
	_ =	sdelay $0x2  }
0xba: {  	s31 =	sshll.u32 s1, $0xD;
	s1 =	sshrl.u32 s1, $0x2  }
0xbb: {  	s3 =	sand.u32 $0x4000, s31;
	s1 =	sadd.s32 s1, s30  }
0xbc: {  	s0 =	sor.u32 s3, s0;
	s1 =	sshll.u32 s1, $0x11  }
0xbd: {  	s0 =	sor.u32 s1, s0  }
0xbe: {  	s0 =	sadd.s32 $0x8F2B, s0  }
0xbf: {  	[sflag:s0] =	ssyncadd.remote.s32 $0x1  }
0xc0: {  	_ =	sfence.sel $0xFFFF  }
0xc1: {  	[dreg:$0x0] =	wrdreg $0xFFFFFFFF;
	(pc) =	sbr.abs _section_cstart, $3  }
0xc2: {  	[dreg:$0x1] =	wrdreg $0xFFFFFFFF  }
0xc3: {  	_ =	task.clear_ibuf [dreg:s8], $0x2FFFF;
	_ =	strace $0x9FFFFFFF  }
0xc4: {  	(tm) =	ssettm $0x7FFFFFFF  }
0xc5: {  	_ =	shalt  }
tec
execute0_lowered:
.L_overlay_start_1:
0x0: {  	(tag) =	ssettag $0x1  }
0x1: {  	s1 =	rddreg [dreg:$0x0]  }
0x2: {  	s3 =	rddreg [dreg:$0x1]  }
0x3: {  	s2 =	srdreg.scid;
	s0 =	stileid.u32  }
0x4: {  	s11 =	rddreg [dreg:$0x2];
	s15 =	simm.s32 $0x2;
	s16 =	simm.s32 $0x10000  }
0x5: {  	s17 =	simm.s32 $0x3;
	s5 =	sand.u32 $0x1, s2;
	s4 =	sshll.u32 s0, $0x1  }
0x6: {  	s18 =	simm.s32 $0x0;
	s2 =	rddreg [dreg:$0x3];
	s10 =	sor.u32 s5, s4  }
0x7: {  	s4 =	simm.s32 $0x0;
	s5 =	ssub.s32 $0x2, s5;
	s9 =	smul.u32 $0x18000, s10  }
0x8: {  	[smem:$0x7FF] =	sst s4;
	s6 =	sshrl.u32 s5, $0x1;
	s8 =	smul.u32 $0xC0000, s10  }
.Ltmp0:
0x9: {  	s14 =	sshll.u32 s10, $0x5;
	_ =	strace $0x80000047;
	(pc) =	sbr.rel .LBB2_1-.Ltmp0, $4  }
0xa: {  	s12 =	ssub.s32 s5, s6;
	s11 =	sadd.s32 s11, s14;
	s14 =	simm.s32 $0x1  }
0xb: {  	s13 =	sor.u32 $0x1000, s9;
	s5 =	sadd.s32 s1, s9;
	s7 =	sor.u32 $0x10000, s8  }
0xc: {  	s8 =	sor.u32 $0x18000, s8;
	s9 =	sadd.s32 s3, s9;
	s12 =	smax.u32 s12, $0x1  }
0xd: {  	s6 =	sadd.s32 s1, s13;
	s10 =	sadd.s32 s3, s13;
	s13 =	simm.s32 $0x8000  }
.LBB2_15:
0xe: {  	s18 =	sadd.s32 $0x1, s18  }
0xf: {  	[tilespmem:$0x10000] =	vst v1;
	p0 =	sne.s32 s18, s12  }
.Ltmp1:
0x10: {  	[tilespmem:$0x10080] =	vst v0;
	(pc) =	sbr.rel @!p0 .LBB2_16-.Ltmp1, $4  }
0x11: {  	[hbm4b:s11+s4] =	stream.linear.scatter [tilespmem:s16], [sflag:$0x3], $0x100, $0x38;
	[tilespmem:$0x10100] =	vst v63  }
0x12: {  	_ =	swait.ge [sflag:s17], $0x100  }
0x13: {  	[sflag:s17] =	ssyncset.done $0x0  }
0x14: {  	[sflag:s17] =	ssyncadd.s32 $0xFFFFFF00  }
.LBB2_1:
0x15: {  	[tilespmem:s4], [sflag:$0x1] =	stream.linear.gather [hbm4b:s5+s4], $0x8000, $0x38;
	[tilespmem:$0x10100] =	vst v63  }
0x16: {  	s19 =	simm.s32 $0x0  }
0x17: {  	v1 =	vimm.f32 $+Inf;
	v0 =	vimm.f32 $-Inf;
	[tilespmem:s13], [sflag:$0x2] =	stream.linear.gather [hbm4b:s6+s4], $0x8000, $0x38;
	[tilespmem:$0x10100] =	vst v63  }
.LBB2_2:
0x18: {  	_ =	swait.ge [sflag:s14], $0x8000;
	s20 =	simm.s32 $0x0;
	s21 =	simm.s32 $0x0  }
0x19: {  	s22 =	simm.s32 $0x0;
	s21 =	sand.u32 $0x7000, s21;
	s20 =	sand.u32 $0xC00, s20  }
0x1a: {  	[sflag:s14] =	ssyncset.done $0x0;
	s22 =	sand.u32 $0x380, s22;
	s20 =	sor.u32 s20, s21  }
0x1b: {  	[sflag:s14] =	ssyncadd.s32 $0xFFFF8000;
	s22 =	sor.u32 s22, s20  }
0x1c: {  	v2 =	vld [tilespmem:s22+$0x0]  }
0x1d: {  	v3 =	vld [tilespmem:s22+$0x10]  }
0x1e: {  	v5 =	vld [tilespmem:s22+$0x20]  }
0x1f: {  	v6 =	vld [tilespmem:s22+$0x30]  }
0x20: {  	s31 =	simm.s32 $0x80;
	s20 =	simm.s32 $0x400;
	v7 =	vld [tilespmem:s22+$0x40]  }
0x21: {  	s24 =	simm.s32 $0x20;
	s21 =	sand.u32 $0x7000, s31;
	s23 =	sand.u32 $0xC00, s20;
	v8 =	vld [tilespmem:s22+$0x50];
	v1 =	vmin.f32 v1, v2;
	v0 =	vmax.f32 v0, v2  }
0x22: {  	s24 =	sand.u32 $0x380, s24;
	v4 =	vld [tilespmem:s22+$0x60];
	s21 =	sor.u32 s23, s21;
	v1 =	vmin.f32 v1, v3;
	v0 =	vmax.f32 v0, v3  }
0x23: {  	s21 =	sor.u32 s24, s21;
	v3 =	vld [tilespmem:s22+$0x70];
	v1 =	vmin.f32 v1, v5;
	v0 =	vmax.f32 v0, v5  }
0x24: {  	v2 =	vld [tilespmem:s21+$0x0];
	v5 =	vmin.f32 v1, v6;
	v0 =	vmax.f32 v0, v6  }
0x25: {  	v1 =	vld [tilespmem:s21+$0x10];
	v5 =	vmin.f32 v5, v7;
	v6 =	vmax.f32 v0, v7  }
0x26: {  	s22 =	simm.s32 $0x8;
	v0 =	vld [tilespmem:s21+$0x20];
	v5 =	vmin.f32 v5, v8;
	v6 =	vmax.f32 v6, v8  }
.LBB2_3:
0x27: {  	s22 =	sadd.s32 $0x8, s22;
	v7 =	vld [tilespmem:s21+$0x30];
	v5 =	vmin.f32 v5, v4;
	v4 =	vmax.f32 v6, v4  }
0x28: {  	s20 =	sadd.s32 $0x400, s20;
	s23 =	sshll.u32 s22, $0x4;
	p0 =	slt.u32 s22, $0x7F8;
	v6 =	vld [tilespmem:s21+$0x40];
	v5 =	vmin.f32 v5, v3;
	v3 =	vmax.f32 v4, v3  }
0x29: {  	s24 =	sand.u32 $0xC00, s20;
	s25 =	sshll.u32 s22, $0x2;
	s23 =	sand.u32 $0x7000, s23;
	v4 =	vmin.f32 v5, v2;
	v2 =	vmax.f32 v3, v2;
	v8 =	vld [tilespmem:s21+$0x50]  }
.Ltmp2:
0x2a: {  	s25 =	sand.u32 $0x380, s25;
	s23 =	sor.u32 s24, s23;
	v3 =	vmin.f32 v4, v1;
	v1 =	vmax.f32 v2, v1;
	v4 =	vld [tilespmem:s21+$0x60];
	(pc) =	sbr.rel @p0 .LBB2_3-.Ltmp2, $4  }
0x2b: {  	v5 =	vmin.f32 v3, v0;
	v0 =	vmax.f32 v1, v0;
	v3 =	vld [tilespmem:s21+$0x70];
	s21 =	sor.u32 s25, s23  }
0x2c: {  	v2 =	vld [tilespmem:s21+$0x0];
	v5 =	vmin.f32 v5, v7;
	v0 =	vmax.f32 v0, v7  }
0x2d: {  	v1 =	vld [tilespmem:s21+$0x10];
	v5 =	vmin.f32 v5, v6;
	v6 =	vmax.f32 v0, v6  }
0x2e: {  	v0 =	vld [tilespmem:s21+$0x20];
	v5 =	vmin.f32 v5, v8;
	v6 =	vmax.f32 v6, v8  }
0x2f: {  	v7 =	vld [tilespmem:s21+$0x30]  }
0x30: {  	v8 =	vld [tilespmem:s21+$0x40];
	s20 =	sshll.u32 s19, $0x10;
	p0 =	seq.s32 s19, $0xB  }
0x31: {  	v9 =	vld [tilespmem:s21+$0x50];
	s22 =	sadd.s32 @!p0 s20, s7  }
0x32: {  	v10 =	vld [tilespmem:s21+$0x60];
	s29 =	simm.s32 $0x0;
	s30 =	simm.s32 $0x0;
	s22 =	sshrl.u32 @!p0 s22, $0x3  }
0x33: {  	v11 =	vld [tilespmem:s21+$0x70];
	v5 =	vmin.f32 v5, v4;
	v4 =	vmax.f32 v6, v4;
	s23 =	simm.s32 $0x0;
	s21 =	sadd.s32 @!p0 s1, s22;
	s22 =	simm.s32 @!p0 $0x0  }
0x34: {  	v5 =	vmin.f32 v5, v3;
	v3 =	vmax.f32 v4, v3;
	[tilespmem:s22], [sflag:$0x1] =	stream.linear.gather @!p0 [hbm4b:s21+s22], $0x8000, $0x38;
	[tilespmem:$0x10100] =	vst v63  }
0x35: {  	v4 =	vmin.f32 v5, v2;
	v2 =	vmax.f32 v3, v2;
	s22 =	sand.u32 $0x7000, s30;
	s21 =	sand.u32 $0xC00, s29;
	_ =	swait.ge [sflag:s15], $0x8000  }
0x36: {  	s23 =	sand.u32 $0x380, s23;
	v3 =	vmin.f32 v4, v1;
	v1 =	vmax.f32 v2, v1;
	s21 =	sor.u32 s21, s22;
	[sflag:s15] =	ssyncset.done $0x0  }
0x37: {  	v2 =	vmin.f32 v3, v0;
	v0 =	vmax.f32 v1, v0;
	s23 =	sor.u32 s23, s21;
	[sflag:s15] =	ssyncadd.s32 $0xFFFF8000  }
0x38: {  	v1 =	vmin.f32 v2, v7;
	v0 =	vmax.f32 v0, v7;
	v2 =	vld [tilespmem:s23+$0x8000]  }
0x39: {  	v1 =	vmin.f32 v1, v8;
	v0 =	vmax.f32 v0, v8;
	v3 =	vld [tilespmem:s23+$0x8010]  }
0x3a: {  	v1 =	vmin.f32 v1, v9;
	v0 =	vmax.f32 v0, v9;
	v5 =	vld [tilespmem:s23+$0x8020]  }
0x3b: {  	v1 =	vmin.f32 v1, v10;
	v0 =	vmax.f32 v0, v10;
	v6 =	vld [tilespmem:s23+$0x8030]  }
0x3c: {  	s31 =	simm.s32 $0x80;
	s22 =	simm.s32 $0x400;
	v7 =	vld [tilespmem:s23+$0x8040];
	v1 =	vmin.f32 v1, v11;
	v0 =	vmax.f32 v0, v11  }
0x3d: {  	s25 =	simm.s32 $0x20;
	s21 =	sand.u32 $0x7000, s31;
	s24 =	sand.u32 $0xC00, s22;
	v8 =	vld [tilespmem:s23+$0x8050];
	v1 =	vmin.f32 v1, v2;
	v0 =	vmax.f32 v0, v2  }
0x3e: {  	s25 =	sand.u32 $0x380, s25;
	s21 =	sor.u32 s24, s21;
	v4 =	vld [tilespmem:s23+$0x8060];
	v1 =	vmin.f32 v1, v3;
	v0 =	vmax.f32 v0, v3  }
0x3f: {  	s21 =	sor.u32 s25, s21;
	v3 =	vld [tilespmem:s23+$0x8070];
	v1 =	vmin.f32 v1, v5;
	v0 =	vmax.f32 v0, v5  }
0x40: {  	v2 =	vld [tilespmem:s21+$0x8000];
	v1 =	vmin.f32 v1, v6;
	v5 =	vmax.f32 v0, v6  }
0x41: {  	v0 =	vld [tilespmem:s21+$0x8010];
	v6 =	vmin.f32 v1, v7;
	v7 =	vmax.f32 v5, v7  }
0x42: {  	s23 =	simm.s32 $0x8;
	v1 =	vld [tilespmem:s21+$0x8020];
	v5 =	vmin.f32 v6, v8;
	v6 =	vmax.f32 v7, v8  }
.LBB2_5:
0x43: {  	s23 =	sadd.s32 $0x8, s23;
	v7 =	vld [tilespmem:s21+$0x8030];
	v5 =	vmin.f32 v5, v4;
	v4 =	vmax.f32 v6, v4  }
0x44: {  	s22 =	sadd.s32 $0x400, s22;
	s24 =	sshll.u32 s23, $0x4;
	p1 =	slt.u32 s23, $0x7F8;
	v6 =	vld [tilespmem:s21+$0x8040];
	v5 =	vmin.f32 v5, v3;
	v3 =	vmax.f32 v4, v3  }
0x45: {  	s25 =	sand.u32 $0xC00, s22;
	s26 =	sshll.u32 s23, $0x2;
	s24 =	sand.u32 $0x7000, s24;
	v4 =	vmin.f32 v5, v2;
	v2 =	vmax.f32 v3, v2;
	v8 =	vld [tilespmem:s21+$0x8050]  }
.Ltmp3:
0x46: {  	s26 =	sand.u32 $0x380, s26;
	s24 =	sor.u32 s25, s24;
	v3 =	vmin.f32 v4, v0;
	v0 =	vmax.f32 v2, v0;
	v4 =	vld [tilespmem:s21+$0x8060];
	(pc) =	sbr.rel @p1 .LBB2_5-.Ltmp3, $4  }
0x47: {  	v5 =	vmin.f32 v3, v1;
	v0 =	vmax.f32 v0, v1;
	v3 =	vld [tilespmem:s21+$0x8070];
	s21 =	sor.u32 s26, s24  }
0x48: {  	v2 =	vld [tilespmem:s21+$0x8000];
	v1 =	vmin.f32 v5, v7;
	v5 =	vmax.f32 v0, v7  }
0x49: {  	v0 =	vld [tilespmem:s21+$0x8010];
	v7 =	vmin.f32 v1, v6;
	v6 =	vmax.f32 v5, v6  }
0x4a: {  	v1 =	vld [tilespmem:s21+$0x8020];
	v5 =	vmin.f32 v7, v8;
	v6 =	vmax.f32 v6, v8  }
0x4b: {  	v7 =	vld [tilespmem:s21+$0x8030];
	v5 =	vmin.f32 v5, v4;
	v60 =	vmax.f32 v6, v4  }
0x4c: {  	v61 =	vld [tilespmem:s21+$0x8040];
	v5 =	vmin.f32 v5, v3;
	v3 =	vmax.f32 v60, v3  }
0x4d: {  	v62 =	vmin.f32 v5, v2;
	v2 =	vmax.f32 v3, v2;
	v3 =	vld [tilespmem:s21+$0x8050]  }
0x4e: {  	v4 =	vmin.f32 v62, v0;
	v0 =	vmax.f32 v2, v0;
	v2 =	vld [tilespmem:s21+$0x8060]  }
0x4f: {  	v63 =	vld [tilespmem:s21+$0x8070];
	v4 =	vmin.f32 v4, v1;
	v0 =	vmax.f32 v0, v1  }
.Ltmp4:
0x50: {  	v1 =	vmin.f32 v4, v7;
	v0 =	vmax.f32 v0, v7;
	(pc) =	sbr.rel @p0 .LBB2_8-.Ltmp4, $4  }
0x51: {  	v1 =	vmin.f32 v1, v61;
	v0 =	vmax.f32 v0, v61  }
0x52: {  	v1 =	vmin.f32 v1, v3;
	v0 =	vmax.f32 v0, v3  }
0x53: {  	v1 =	vmin.f32 v1, v2;
	v0 =	vmax.f32 v0, v2  }
0x54: {  	v1 =	vmin.f32 v1, v63;
	v0 =	vmax.f32 v0, v63  }
.Ltmp5:
0x55: {  	(pc) =	sbr.rel .LBB2_2-.Ltmp5, $4  }
0x56: {  	s20 =	sadd.s32 s20, s8  }
0x57: {  	s20 =	sshrl.u32 s20, $0x3  }
0x58: {  	s19 =	sadd.s32 $0x1, s19;
	s20 =	sadd.s32 s1, s20  }
0x59: {  	[tilespmem:s13], [sflag:$0x2] =	stream.linear.gather [hbm4b:s20+s4], $0x8000, $0x38;
	[tilespmem:$0x10100] =	vst v63  }
.LBB2_8:
0x5a: {  	s19 =	simm.s32 $0x0  }
0x5b: {  	[tilespmem:s19], [sflag:$0x1] =	stream.linear.gather [hbm4b:s9+s19], $0x8000, $0x38;
	[tilespmem:$0x10100] =	vst v63  }
0x5c: {  	s20 =	simm.s32 $0x0  }
0x5d: {  	[tilespmem:s13], [sflag:$0x2] =	stream.linear.gather [hbm4b:s10+s19], $0x8000, $0x38;
	[tilespmem:$0x10100] =	vst v63  }
.LBB2_9:
0x5e: {  	_ =	swait.ge [sflag:s14], $0x8000;
	s21 =	simm.s32 $0x0  }
0x5f: {  	s22 =	sand.u32 $0xC00, s19;
	s23 =	simm.s32 $0x0;
	s21 =	sand.u32 $0x7000, s21  }
0x60: {  	[sflag:s14] =	ssyncset.done $0x0;
	s23 =	sand.u32 $0x380, s23;
	s21 =	sor.u32 s22, s21  }
0x61: {  	[sflag:s14] =	ssyncadd.s32 $0xFFFF8000;
	s23 =	sor.u32 s23, s21  }
0x62: {  	v2 =	vld [tilespmem:s23+$0x0]  }
0x63: {  	v3 =	vld [tilespmem:s23+$0x10]  }
0x64: {  	v5 =	vld [tilespmem:s23+$0x20]  }
0x65: {  	v6 =	vld [tilespmem:s23+$0x30]  }
0x66: {  	s31 =	simm.s32 $0x80;
	s21 =	simm.s32 $0x400;
	v7 =	vld [tilespmem:s23+$0x40]  }
0x67: {  	s25 =	simm.s32 $0x20;
	s22 =	sand.u32 $0x7000, s31;
	s24 =	sand.u32 $0xC00, s21;
	v8 =	vld [tilespmem:s23+$0x50];
	v1 =	vmin.f32 v1, v2;
	v0 =	vmax.f32 v0, v2  }
0x68: {  	s25 =	sand.u32 $0x380, s25;
	v4 =	vld [tilespmem:s23+$0x60];
	s22 =	sor.u32 s24, s22;
	v1 =	vmin.f32 v1, v3;
	v0 =	vmax.f32 v0, v3  }
0x69: {  	s22 =	sor.u32 s25, s22;
	v3 =	vld [tilespmem:s23+$0x70];
	v1 =	vmin.f32 v1, v5;
	v0 =	vmax.f32 v0, v5  }
0x6a: {  	v2 =	vld [tilespmem:s22+$0x0];
	v5 =	vmin.f32 v1, v6;
	v0 =	vmax.f32 v0, v6  }
0x6b: {  	v1 =	vld [tilespmem:s22+$0x10];
	v5 =	vmin.f32 v5, v7;
	v6 =	vmax.f32 v0, v7  }
0x6c: {  	s23 =	simm.s32 $0x8;
	v0 =	vld [tilespmem:s22+$0x20];
	v5 =	vmin.f32 v5, v8;
	v6 =	vmax.f32 v6, v8  }
.LBB2_10:
0x6d: {  	s23 =	sadd.s32 $0x8, s23;
	v7 =	vld [tilespmem:s22+$0x30];
	v5 =	vmin.f32 v5, v4;
	v4 =	vmax.f32 v6, v4  }
0x6e: {  	s21 =	sadd.s32 $0x400, s21;
	s24 =	sshll.u32 s23, $0x4;
	p0 =	slt.u32 s23, $0x7F8;
	v6 =	vld [tilespmem:s22+$0x40];
	v5 =	vmin.f32 v5, v3;
	v3 =	vmax.f32 v4, v3  }
0x6f: {  	s25 =	sand.u32 $0xC00, s21;
	s26 =	sshll.u32 s23, $0x2;
	s24 =	sand.u32 $0x7000, s24;
	v4 =	vmin.f32 v5, v2;
	v2 =	vmax.f32 v3, v2;
	v8 =	vld [tilespmem:s22+$0x50]  }
.Ltmp6:
0x70: {  	s26 =	sand.u32 $0x380, s26;
	s24 =	sor.u32 s25, s24;
	v3 =	vmin.f32 v4, v1;
	v1 =	vmax.f32 v2, v1;
	v4 =	vld [tilespmem:s22+$0x60];
	(pc) =	sbr.rel @p0 .LBB2_10-.Ltmp6, $4  }
0x71: {  	v5 =	vmin.f32 v3, v0;
	v0 =	vmax.f32 v1, v0;
	v3 =	vld [tilespmem:s22+$0x70];
	s22 =	sor.u32 s26, s24  }
0x72: {  	v2 =	vld [tilespmem:s22+$0x0];
	v5 =	vmin.f32 v5, v7;
	v0 =	vmax.f32 v0, v7  }
0x73: {  	v1 =	vld [tilespmem:s22+$0x10];
	v5 =	vmin.f32 v5, v6;
	v6 =	vmax.f32 v0, v6  }
0x74: {  	v0 =	vld [tilespmem:s22+$0x20];
	v5 =	vmin.f32 v5, v8;
	v6 =	vmax.f32 v6, v8  }
0x75: {  	v7 =	vld [tilespmem:s22+$0x30]  }
0x76: {  	v8 =	vld [tilespmem:s22+$0x40];
	s21 =	sshll.u32 s20, $0x10;
	p0 =	seq.s32 s20, $0xB  }
0x77: {  	v9 =	vld [tilespmem:s22+$0x50];
	s23 =	sadd.s32 @!p0 s21, s7  }
0x78: {  	v10 =	vld [tilespmem:s22+$0x60];
	s29 =	simm.s32 $0x0;
	s30 =	simm.s32 $0x0;
	s23 =	sshrl.u32 @!p0 s23, $0x3  }
0x79: {  	v11 =	vld [tilespmem:s22+$0x70];
	v5 =	vmin.f32 v5, v4;
	v4 =	vmax.f32 v6, v4;
	s24 =	simm.s32 $0x0;
	s22 =	sadd.s32 @!p0 s3, s23;
	s23 =	simm.s32 @!p0 $0x0  }
0x7a: {  	v5 =	vmin.f32 v5, v3;
	v3 =	vmax.f32 v4, v3;
	[tilespmem:s23], [sflag:$0x1] =	stream.linear.gather @!p0 [hbm4b:s22+s23], $0x8000, $0x38;
	[tilespmem:$0x10100] =	vst v63  }
0x7b: {  	v4 =	vmin.f32 v5, v2;
	v2 =	vmax.f32 v3, v2;
	s23 =	sand.u32 $0x7000, s30;
	s22 =	sand.u32 $0xC00, s29;
	_ =	swait.ge [sflag:s15], $0x8000  }
0x7c: {  	s24 =	sand.u32 $0x380, s24;
	v3 =	vmin.f32 v4, v1;
	v1 =	vmax.f32 v2, v1;
	s22 =	sor.u32 s22, s23;
	[sflag:s15] =	ssyncset.done $0x0  }
0x7d: {  	v2 =	vmin.f32 v3, v0;
	v0 =	vmax.f32 v1, v0;
	s24 =	sor.u32 s24, s22;
	[sflag:s15] =	ssyncadd.s32 $0xFFFF8000  }
0x7e: {  	v1 =	vmin.f32 v2, v7;
	v0 =	vmax.f32 v0, v7;
	v2 =	vld [tilespmem:s24+$0x8000]  }
0x7f: {  	v1 =	vmin.f32 v1, v8;
	v0 =	vmax.f32 v0, v8;
	v3 =	vld [tilespmem:s24+$0x8010]  }
0x80: {  	v1 =	vmin.f32 v1, v9;
	v0 =	vmax.f32 v0, v9;
	v5 =	vld [tilespmem:s24+$0x8020]  }
0x81: {  	v1 =	vmin.f32 v1, v10;
	v0 =	vmax.f32 v0, v10;
	v6 =	vld [tilespmem:s24+$0x8030]  }
0x82: {  	s31 =	simm.s32 $0x80;
	s23 =	simm.s32 $0x400;
	v7 =	vld [tilespmem:s24+$0x8040];
	v1 =	vmin.f32 v1, v11;
	v0 =	vmax.f32 v0, v11  }
0x83: {  	s26 =	simm.s32 $0x20;
	s22 =	sand.u32 $0x7000, s31;
	s25 =	sand.u32 $0xC00, s23;
	v8 =	vld [tilespmem:s24+$0x8050];
	v1 =	vmin.f32 v1, v2;
	v0 =	vmax.f32 v0, v2  }
0x84: {  	s26 =	sand.u32 $0x380, s26;
	s22 =	sor.u32 s25, s22;
	v4 =	vld [tilespmem:s24+$0x8060];
	v1 =	vmin.f32 v1, v3;
	v0 =	vmax.f32 v0, v3  }
0x85: {  	s22 =	sor.u32 s26, s22;
	v3 =	vld [tilespmem:s24+$0x8070];
	v1 =	vmin.f32 v1, v5;
	v0 =	vmax.f32 v0, v5  }
0x86: {  	v2 =	vld [tilespmem:s22+$0x8000];
	v1 =	vmin.f32 v1, v6;
	v5 =	vmax.f32 v0, v6  }
0x87: {  	v0 =	vld [tilespmem:s22+$0x8010];
	v6 =	vmin.f32 v1, v7;
	v7 =	vmax.f32 v5, v7  }
0x88: {  	s24 =	simm.s32 $0x8;
	v1 =	vld [tilespmem:s22+$0x8020];
	v5 =	vmin.f32 v6, v8;
	v6 =	vmax.f32 v7, v8  }
.LBB2_12:
0x89: {  	s24 =	sadd.s32 $0x8, s24;
	v7 =	vld [tilespmem:s22+$0x8030];
	v5 =	vmin.f32 v5, v4;
	v4 =	vmax.f32 v6, v4  }
0x8a: {  	s23 =	sadd.s32 $0x400, s23;
	s25 =	sshll.u32 s24, $0x4;
	p1 =	slt.u32 s24, $0x7F8;
	v6 =	vld [tilespmem:s22+$0x8040];
	v5 =	vmin.f32 v5, v3;
	v3 =	vmax.f32 v4, v3  }
0x8b: {  	s26 =	sand.u32 $0xC00, s23;
	s28 =	sshll.u32 s24, $0x2;
	s25 =	sand.u32 $0x7000, s25;
	v4 =	vmin.f32 v5, v2;
	v2 =	vmax.f32 v3, v2;
	v8 =	vld [tilespmem:s22+$0x8050]  }
.Ltmp7:
0x8c: {  	s28 =	sand.u32 $0x380, s28;
	s25 =	sor.u32 s26, s25;
	v3 =	vmin.f32 v4, v0;
	v0 =	vmax.f32 v2, v0;
	v4 =	vld [tilespmem:s22+$0x8060];
	(pc) =	sbr.rel @p1 .LBB2_12-.Ltmp7, $4  }
0x8d: {  	v5 =	vmin.f32 v3, v1;
	v0 =	vmax.f32 v0, v1;
	v3 =	vld [tilespmem:s22+$0x8070];
	s22 =	sor.u32 s28, s25  }
0x8e: {  	v2 =	vld [tilespmem:s22+$0x8000];
	v1 =	vmin.f32 v5, v7;
	v5 =	vmax.f32 v0, v7  }
0x8f: {  	v0 =	vld [tilespmem:s22+$0x8010];
	v7 =	vmin.f32 v1, v6;
	v6 =	vmax.f32 v5, v6  }
0x90: {  	v1 =	vld [tilespmem:s22+$0x8020];
	v5 =	vmin.f32 v7, v8;
	v6 =	vmax.f32 v6, v8  }
0x91: {  	v7 =	vld [tilespmem:s22+$0x8030];
	v5 =	vmin.f32 v5, v4;
	v60 =	vmax.f32 v6, v4  }
0x92: {  	v61 =	vld [tilespmem:s22+$0x8040];
	v5 =	vmin.f32 v5, v3;
	v3 =	vmax.f32 v60, v3  }
0x93: {  	v62 =	vmin.f32 v5, v2;
	v2 =	vmax.f32 v3, v2;
	v3 =	vld [tilespmem:s22+$0x8050]  }
0x94: {  	v4 =	vmin.f32 v62, v0;
	v0 =	vmax.f32 v2, v0;
	v2 =	vld [tilespmem:s22+$0x8060]  }
0x95: {  	v63 =	vld [tilespmem:s22+$0x8070];
	v4 =	vmin.f32 v4, v1;
	v0 =	vmax.f32 v0, v1  }
.Ltmp8:
0x96: {  	v1 =	vmin.f32 v4, v7;
	v0 =	vmax.f32 v0, v7;
	(pc) =	sbr.rel @p0 .LBB2_15-.Ltmp8, $4  }
0x97: {  	v1 =	vmin.f32 v1, v61;
	v0 =	vmax.f32 v0, v61  }
0x98: {  	v1 =	vmin.f32 v1, v3;
	v0 =	vmax.f32 v0, v3  }
0x99: {  	v1 =	vmin.f32 v1, v2;
	v0 =	vmax.f32 v0, v2  }
0x9a: {  	v1 =	vmin.f32 v1, v63;
	v0 =	vmax.f32 v0, v63  }
.Ltmp9:
0x9b: {  	(pc) =	sbr.rel .LBB2_9-.Ltmp9, $4  }
0x9c: {  	s21 =	sadd.s32 s21, s8  }
0x9d: {  	s21 =	sshrl.u32 s21, $0x3  }
0x9e: {  	s20 =	sadd.s32 $0x1, s20;
	s21 =	sadd.s32 s3, s21  }
0x9f: {  	[tilespmem:s13], [sflag:$0x2] =	stream.linear.gather [hbm4b:s21+s4], $0x8000, $0x38;
	[tilespmem:$0x10100] =	vst v63  }
.LBB2_16:
0xa0: {  	_ =	sfence.sel $0x180000  }
0xa1: {  	[bflag:$0x0] =	sbarrier.arrive $0xFFFF  }
0xa2: {  	p0 =	sne.s32 s0, $0x0;
	_ =	strace $0x90000047  }
0xa3: {  	s0 =	sadd.s32 @!p0 $0x100000, s2;
	[bflag:$0x2] =	sbarrier.arrive $0xFFFF  }
0xa4: {  	[sflag:s0] =	ssyncadd.tile.s32 @!p0 $0x1;
	_ =	shalt  }
.Lfunc_end2:
_tile_overlayer_lowered:
.L_overlay_start_2:
0xa5: {  	(tag) =	ssettag $0x2  }
0xa6: {  	s0 =	rddreg [dreg:$0x0];
	s2 =	stileid.u32  }
0xa7: {  	s1 =	rddreg [dreg:$0x1];
	p0 =	sne.s32 s2, $0x0  }
0xa8: {  	s3 =	rddreg [dreg:$0x2];
	[bflag:$0x3] =	sbarrier.arrive $0xFFFF;
	s2 =	simm.s32 @!p0 $0x1C03  }
0xa9: {  	[timem:s3], [sflag:s2] =	dma.local @!p0 [hbm:s0], s1  }
0xaa: {  	s0 =	simm.s32 @!p0 $0x3  }
0xab: {  	_ =	swait.ge @!p0 [sflag:s0], s1  }
0xac: {  	s1 =	ssub.s32 @!p0 $0x0, s1;
	[sflag:s0] =	ssyncset.done @!p0 $0x0  }
0xad: {  	[sflag:s0] =	ssyncadd.s32 @!p0 s1  }
0xae: {  	[bflag:$0x3] =	sbarrier.arrive $0xFFFF  }
0xaf: {  	_ =	shalt  }

// kernel: kernel.7.cloned.1.call-start
scs
__scs_entry_jumppad:
0x0: {  	(pc) =	sbr.rel $0x88, $3  }
0x1: {  	(tag) =	ssettag $0x0;
	lr =	simm.s32 $0x1  }
0x2: {  	[smem:$0x3F9F] =	sst lr;
	_ =	strace $0xD0000000  }
0x3: {  	_ = 	snop  }
0x4: {  	_ = 	snop  }
0x5: {  	_ = 	snop  }
0x6: {  	_ = 	snop  }
0x7: {  	_ = 	snop  }
__scs_overlays_trampoline_lowered:
0x8: {  	[smem:$0x3FAE] =	sst s0  }
0x9: {  	[smem:$0x3FAF] =	sst s1  }
0xa: {  	[smem:$0x3FB0] =	sst s2  }
0xb: {  	[smem:$0x3FB1] =	sst s3  }
0xc: {  	[smem:$0x3FB2] =	sst s4  }
0xd: {  	[smem:$0x3FB3] =	sst s5  }
0xe: {  	[smem:$0x3FB4] =	sst s6  }
0xf: {  	[smem:$0x3FB5] =	sst s7  }
0x10: {  	[smem:$0x3FB6] =	sst s8  }
0x11: {  	[smem:$0x3FB7] =	sst s9;
	s0 =	simm.s32 @!p0 $0x0  }
0x12: {  	s1 =	sld [smem:$0x3F9D];
	s0 =	simm.s32 @p0 $0x1  }
0x13: {  	[smem:$0x3FB8] =	sst s0;
	s0 =	simm.s32 @!p1 $0x0  }
0x14: {  	s2 =	sld [smem:$0x3F9C];
	s0 =	simm.s32 @p1 $0x1  }
0x15: {  	[smem:$0x3FB9] =	sst s0;
	s0 =	simm.s32 @!p2 $0x0  }
0x16: {  	s3 =	sld [smem:$0x3FDB];
	s0 =	simm.s32 @p2 $0x1  }
0x17: {  	s4 =	simm.s32 $0x1BF5;
	[smem:$0x3FBB] =	sst s0  }
0x18: {  	s0 =	sld [smem:$0x3F9E];
	_ =	swait.ge [sflag:s4], $0x0  }
0x19: {  	s7 =	sld [smem:$0x3F9F]  }
0x1a: {  	s8 =	sadd.s32 $0xFFFFE003, lr  }
0x1b: {  	s9 =	sadd.s32 $0xFFFFFEF7, lr;
	s5 =	simm.s32 $0xFFFFFFFF;
	p2 =	slt.u32 s8, $0xFFFFF086  }
0x1c: {  	p1 =	slt.u32 s9, $0xF7A;
	s5 =	simm.s32 @!p2 $0x0  }
0x1d: {  	s5 =	simm.s32 @p1 $0x1;
	p0 =	seq.s32 s7, s2  }
0x1e: {  	s7 =	smul.u32 @!p0 $0xF7A, s2;
	p2 =	seq.s32 @!p0 s5, $0x0  }
0x1f: {  	s9 =	smul.u32 $0xF7A, s1;
	s8 =	simm.s32 @!p0 $0x1BF5;
	p2 =	por !p2, p0  }
0x20: {  	[sflag:s8] =	ssyncset.s32 @!p0 $0xFFFFF086;
	s6 =	sadd.s32 @!p0 s3, s7;
	s7 =	simm.s32 @!p0 $0x108  }
0x21: {  	s3 =	sadd.s32 s3, s9;
	s6 =	sadd.s32 @!p0 $0x88, s6;
	s7 =	simm.s32 @p2 $0x1082  }
0x22: {  	[simem:s7], [sflag:s8] =	dma.local @!p0 [hbm:s6], $0xF7A  }
0x23: {  	s9 =	sor.u32 $0xD0000000, s2;
	s6 =	simm.s32 $0x108;
	_ =	swait.ge @!p0 [sflag:s8], $0x0  }
0x24: {  	s3 =	sadd.s32 $0x88, s3;
	s6 =	simm.s32 @!p1 $0x1082;
	[sflag:s4] =	ssyncset.s32 $0xFFFFF086  }
0x25: {  	[simem:s6], [sflag:s4] =	dma.local [hbm:s3], $0xF7A  }
0x26: {  	[smem:$0x3F9F] =	sst s1;
	(tag) =	ssettag s2;
	_ =	strace s9  }
0x27: {  	s1 =	sld [smem:$0x3FAF]  }
0x28: {  	s2 =	sld [smem:$0x3FB0]  }
0x29: {  	s4 =	sld [smem:$0x3FB2]  }
0x2a: {  	p0 =	seq.s32 s5, $0x0;
	s5 =	sld [smem:$0x3FB3]  }
0x2b: {  	s6 =	sld [smem:$0x3FB4]  }
0x2c: {  	s7 =	sld [smem:$0x3FB5]  }
0x2d: {  	s3 =	simm.s32 $0x108;
	s8 =	sld [smem:$0x3FB6]  }
0x2e: {  	s3 =	simm.s32 @!p0 $0x1082;
	s9 =	sld [smem:$0x3FB7]  }
0x2f: {  	lr =	sadd.s32 s0, s3;
	s0 =	sld [smem:$0x3FAE]  }
0x30: {  	s3 =	sld [smem:$0x3FB1]  }
0x31: {  	[smem:$0x3FBA] =	sst s10  }
0x32: {  	s10 =	sld [smem:$0x3FB8];
	_ =	sdelay $0x3  }
0x33: {  	p0 =	seq.s32 s10, $0x1;
	s10 =	sld [smem:$0x3FBA];
	_ =	sdelay $0x3  }
0x34: {  	[smem:$0x3FBA] =	sst s10  }
0x35: {  	s10 =	sld [smem:$0x3FB9];
	_ =	sdelay $0x3  }
0x36: {  	p1 =	seq.s32 s10, $0x1;
	s10 =	sld [smem:$0x3FBA];
	_ =	sdelay $0x3  }
0x37: {  	[smem:$0x3FBA] =	sst s10  }
0x38: {  	s10 =	sld [smem:$0x3FBB]  }
0x39: {  	_ = 	snop;
	(pc) =	sbr.ind lr, $3  }
0x3a: {  	_ = 	snop  }
0x3b: {  	_ = 	snop  }
0x3c: {  	p2 =	seq.s32 s10, $0x1;
	s10 =	sld [smem:$0x3FBA]  }
0x3d: {  	_ =	shalt  }
0x3e: {  	_ =	shalt  }
0x3f: {  	_ =	shalt  }
0x40: {  	_ =	shalt  }
0x41: {  	_ =	shalt  }
0x42: {  	_ =	shalt  }
0x43: {  	_ =	shalt  }
0x44: {  	_ =	shalt  }
0x45: {  	_ =	shalt  }
0x46: {  	_ =	shalt  }
0x47: {  	_ =	shalt  }
0x48: {  	_ =	shalt  }
0x49: {  	_ =	shalt  }
0x4a: {  	_ =	shalt  }
0x4b: {  	_ =	shalt  }
0x4c: {  	_ =	shalt  }
0x4d: {  	_ =	shalt  }
0x4e: {  	_ =	shalt  }
0x4f: {  	_ =	shalt  }
0x50: {  	_ =	shalt  }
0x51: {  	_ =	shalt  }
0x52: {  	_ =	shalt  }
0x53: {  	_ =	shalt  }
0x54: {  	_ =	shalt  }
0x55: {  	_ =	shalt  }
0x56: {  	_ =	shalt  }
0x57: {  	_ =	shalt  }
0x58: {  	_ =	shalt  }
0x59: {  	_ =	shalt  }
0x5a: {  	_ =	shalt  }
0x5b: {  	_ =	shalt  }
0x5c: {  	_ =	shalt  }
0x5d: {  	_ =	shalt  }
0x5e: {  	_ =	shalt  }
0x5f: {  	_ =	shalt  }
0x60: {  	_ =	shalt  }
0x61: {  	_ =	shalt  }
0x62: {  	_ =	shalt  }
0x63: {  	_ =	shalt  }
0x64: {  	_ =	shalt  }
0x65: {  	_ =	shalt  }
0x66: {  	_ =	shalt  }
0x67: {  	_ =	shalt  }
0x68: {  	_ =	shalt  }
0x69: {  	_ =	shalt  }
0x6a: {  	_ =	shalt  }
0x6b: {  	_ =	shalt  }
0x6c: {  	_ =	shalt  }
0x6d: {  	_ =	shalt  }
0x6e: {  	_ =	shalt  }
0x6f: {  	_ =	shalt  }
0x70: {  	_ =	shalt  }
0x71: {  	_ =	shalt  }
0x72: {  	_ =	shalt  }
0x73: {  	_ =	shalt  }
0x74: {  	_ =	shalt  }
0x75: {  	_ =	shalt  }
0x76: {  	_ =	shalt  }
0x77: {  	_ =	shalt  }
0x78: {  	_ =	shalt  }
0x79: {  	_ =	shalt  }
0x7a: {  	_ =	shalt  }
0x7b: {  	_ =	shalt  }
0x7c: {  	_ =	shalt  }
0x7d: {  	_ =	shalt  }
0x7e: {  	_ =	shalt  }
0x7f: {  	_ =	shalt  }
0x80: {  	_ =	shalt  }
0x81: {  	_ =	shalt  }
0x82: {  	_ =	shalt  }
0x83: {  	_ =	shalt  }
0x84: {  	_ =	shalt  }
0x85: {  	_ =	shalt  }
0x86: {  	_ =	shalt  }
0x87: {  	_ =	shalt  }
.Lfunc_end0:
.L_simem_size_0:
called_computation.1_lowered:
.L_overlay_start_0:
0x88: {  	s2 =	sld [smem:$0x3FD9]  }
0x89: {  	s3 =	sld [smem:$0x3FFE];
	_ =	sdelay $0x1  }
0x8a: {  	s1 =	srdreg.scid  }
0x8b: {  	s0 =	sand.u32 $0x1, s1  }
0x8c: {  	s17 =	sshll.u32 s0, $0xA;
	s2 =	sadd.s32 s3, s2  }
0x8d: {  	s2 =	sadd.s32 s2, s17  }
0x8e: {  	[smem:$0x3FC6] =	sst s2  }
0x8f: {  	_ = 	snop  }
0x90: {  	s2 =	sld [smem:$0x3FC9]  }
0x91: {  	s18 =	sld [smem:$0x3FC8];
	(tm) =	ssettm $0x1  }
0x92: {  	s4 =	sld [smem:$0x3FFB];
	_ =	sdelay $0x3  }
0x93: {  	_ =	strace s4  }
0x94: {  	s4 =	sld [smem:$0x3FFC];
	_ =	sdelay $0x3  }
0x95: {  	_ =	strace s4  }
0x96: {  	s4 =	sld [smem:$0x3FFD];
	_ =	sdelay $0x3  }
0x97: {  	_ =	strace s4  }
0x98: {  	_ =	strace $0x8FFFFFFF  }
0x99: {  	s19 =	sld [smem:$0x3FDB];
	_ =	sdelay $0x1  }
0x9a: {  	s5 =	simm.s32 $_scs_section_size  }
0x9b: {  	s6 =	simm.s32 $_size__tile_overlayer_lowered;
	s7 =	simm.s32 $_tile_overlayer_lowered  }
0x9c: {  	s22 =	simm.s32 $0x1BFF;
	s21 =	sshll.u32 s7, $0x1;
	s4 =	sadd.s32 s5, s19  }
0x9d: {  	s8 =	simm.s32 $0x0;
	s20 =	sshll.u32 s6, $0x1;
	s6 =	sadd.s32 s21, s4  }
0x9e: {  	[timem:s8], [sflag:s22] =	dma.local [hbm:s6], s20  }
0x9f: {  	_ =	swait.ge [sflag:s22], s20  }
0xa0: {  	s5 =	ssub.s32 $0x0, s20;
	[sflag:s22] =	ssyncset.done $0x0  }
0xa1: {  	[sflag:s22] =	ssyncadd.s32 s5;
	_ =	sdelay $0x1  }
0xa2: {  	s23 =	simm.s32 $0x1B8B  }
0xa3: {  	_ =	swait.ge [sflag:s23], $0x1  }
0xa4: {  	[sflag:s23] =	ssyncset.done $0x0  }
0xa5: {  	s25 =	simm.s32 $0x1B8E;
	s24 =	sld [smem:$0x3FFE];
	[sflag:s23] =	ssyncadd.s32 $0xFFFFFFFF  }
0xa6: {  	s26 =	simm.s32 $execute0_lowered;
	[smem:$0x3FD2] =	sst s25  }
0xa7: {  	s6 =	sshll.u32 s26, $0x1;
	_ =	strace $0x80000049;
	[dreg:$0x1] =	wrdreg $0xFFFFFFFF  }
0xa8: {  	s28 =	simm.s32 $_size_execute0_lowered;
	s4 =	sadd.s32 s4, s6;
	[dreg:$0x0] =	wrdreg $0x0  }
0xa9: {  	s6 =	sshll.u32 s28, $0x1;
	[dreg:$0x2] =	wrdreg s4  }
0xaa: {  	[dreg:$0x3] =	wrdreg s6  }
0xab: {  	[dreg:$0x4] =	wrdreg $0xC0  }
0xac: {  	_ =	task [dreg:s8], $0x5FFFF  }
0xad: {  	[dreg:$0x1] =	wrdreg $0xFFFFFFFF  }
0xae: {  	[dreg:$0x0] =	wrdreg $0x60  }
0xaf: {  	[dreg:$0x2] =	wrdreg s2  }
0xb0: {  	[dreg:$0x3] =	wrdreg s18  }
0xb1: {  	[dreg:$0x4] =	wrdreg s24  }
0xb2: {  	[dreg:$0x5] =	wrdreg $0x9  }
0xb3: {  	_ =	task.clear_ibuf [dreg:s8], $0x6FFFF;
	_ =	strace $0x90000049  }
0xb4: {  	s29 =	simm.s32 $0x9;
	_ =	strace $0x8000004B  }
0xb5: {  	_ =	swait.ge [sflag:s29], $0x1  }
0xb6: {  	[sflag:s29] =	ssyncadd.s32 $0xFFFFFFFF  }
0xb7: {  	_ =	strace $0x9000004B  }
0xb8: {  	_ =	sfence  }
0xb9: {  	s30 =	sld [smem:$0x0];
	_ =	sdelay $0x2  }
0xba: {  	s31 =	sshll.u32 s1, $0xD;
	s1 =	sshrl.u32 s1, $0x2  }
0xbb: {  	s3 =	sand.u32 $0x4000, s31;
	s1 =	sadd.s32 s1, s30  }
0xbc: {  	s0 =	sor.u32 s3, s0;
	s1 =	sshll.u32 s1, $0x11  }
0xbd: {  	s0 =	sor.u32 s1, s0  }
0xbe: {  	s0 =	sadd.s32 $0x8F2B, s0  }
0xbf: {  	[sflag:s0] =	ssyncadd.remote.s32 $0x1  }
0xc0: {  	_ =	sfence.sel $0xFFFF  }
0xc1: {  	[dreg:$0x0] =	wrdreg $0xFFFFFFFF;
	(pc) =	sbr.abs _section_cstart, $3  }
0xc2: {  	[dreg:$0x1] =	wrdreg $0xFFFFFFFF  }
0xc3: {  	_ =	task.clear_ibuf [dreg:s8], $0x2FFFF;
	_ =	strace $0x9FFFFFFF  }
0xc4: {  	(tm) =	ssettm $0x7FFFFFFF  }
0xc5: {  	_ =	shalt  }
tec
execute0_lowered:
.L_overlay_start_1:
0x0: {  	(tag) =	ssettag $0x1  }
0x1: {  	s1 =	rddreg [dreg:$0x0]  }
0x2: {  	s2 =	srdreg.scid;
	s3 =	rddreg [dreg:$0x1]  }
0x3: {  	s0 =	stileid.u32;
	s4 =	rddreg [dreg:$0x2];
	s5 =	simm.s32 $0x0  }
0x4: {  	s15 =	simm.s32 $0x16800;
	s16 =	simm.s32 $0x3;
	s17 =	simm.s32 $0x8000  }
0x5: {  	s18 =	simm.s32 $0x1;
	s6 =	sand.u32 $0x1, s2;
	s30 =	sshll.u32 s0, $0x1  }
0x6: {  	s19 =	simm.s32 $0x10000;
	s20 =	simm.s32 $0x2;
	s7 =	sor.u32 s6, s30  }
0x7: {  	s21 =	simm.s32 $0x13400;
	s22 =	simm.s32 $0x0;
	s8 =	smul.u32 $0x6800, s7  }
0x8: {  	s2 =	rddreg [dreg:$0x3];
	s6 =	ssub.s32 $0x2, s6;
	s10 =	smul.u32 $0x18000, s7  }
0x9: {  	[smem:$0x7FF] =	sst s5;
	s31 =	sshrl.u32 s6, $0x1;
	s9 =	smul.u32 $0xC0000, s7  }
.Ltmp0:
0xa: {  	_ =	strace $0x8000004A;
	s14 =	ssub.s32 s6, s31;
	(pc) =	sbr.rel .LBB2_1-.Ltmp0, $4  }
0xb: {  	s8 =	sshrl.u32 s8, $0x3;
	s11 =	sor.u32 $0x1000, s10;
	s6 =	sadd.s32 s1, s10  }
0xc: {  	s10 =	sadd.s32 s3, s10;
	s14 =	smax.u32 s14, $0x1;
	s13 =	sadd.s32 s8, s4  }
0xd: {  	s7 =	sadd.s32 s1, s11;
	s8 =	sor.u32 $0x10000, s9;
	s9 =	sor.u32 $0x18000, s9  }
0xe: {  	v0 =	vimm.f32 $0.0e+00;
	v1 =	vlaneseq.u32;
	v2 =	vimm.f32 $1.000000000e+00;
	s11 =	sadd.s32 s3, s11;
	s12 =	sadd.s32 $0x400, s13;
	s13 =	sadd.s32 $0xA80, s13  }
.LBB2_21:
0xf: {  	[hbm4b:s12+s5] =	stream.linear.scatter [tilespmem:s19], [sflag:$0x3], $0x3280, $0x38;
	[tilespmem:$0x18800] =	vst v63  }
0x10: {  	s22 =	sadd.s32 $0x1, s22;
	_ =	swait.ge [sflag:s16], $0x3280  }
0x11: {  	p0 =	sne.s32 s22, s14;
	[sflag:s16] =	ssyncset.done $0x0  }
.Ltmp1:
0x12: {  	[sflag:s16] =	ssyncadd.s32 $0xFFFFCD80;
	(pc) =	sbr.rel @!p0 .LBB2_22-.Ltmp1, $4  }
0x13: {  	[hbm4b:s13+s5] =	stream.linear.scatter [tilespmem:s21], [sflag:$0x3], $0x3280, $0x38;
	[tilespmem:$0x18800] =	vst v63  }
0x14: {  	_ =	swait.ge [sflag:s16], $0x3280  }
0x15: {  	[sflag:s16] =	ssyncset.done $0x0  }
0x16: {  	[sflag:s16] =	ssyncadd.s32 $0xFFFFCD80  }
.LBB2_1:
0x17: {  	[tilespmem:s15], [sflag:$0x3] =	stream.linear.gather [hbm4b:s4+s5], $0x2000, $0x38;
	[tilespmem:$0x18800] =	vst v63  }
0x18: {  	_ =	swait.ge [sflag:s16], $0x2000  }
0x19: {  	[sflag:s16] =	ssyncset.done $0x0  }
0x1a: {  	s24 =	simm.s32 $0x0;
	[sflag:s16] =	ssyncadd.s32 $0xFFFFE000  }
0x1b: {  	v5 =	vld [tilespmem:s24+$0x16880]  }
0x1c: {  	v6 =	vld [tilespmem:s24+$0x16800];
	_ =	sdelay $0x2  }
0x1d: {  	v4 =	vimm.f32 $+Inf;
	v3 =	vimm.f32 $-Inf;
	s23 =	simm.s32 $0x400  }
.LBB2_2:
0x1e: {  	s24 =	sshra.s32 s23, $0x2;
	p0 =	sne.s32 s23, $0x7C00;
	s23 =	sadd.s32 $0x400, s23;
	v3 =	vmax.f32 v3, v5  }
.Ltmp2:
0x1f: {  	v5 =	vld [tilespmem:s24+$0x16880];
	v4 =	vmin.f32 v4, v6;
	(pc) =	sbr.rel @p0 .LBB2_2-.Ltmp2, $1  }
0x20: {  	v6 =	vld [tilespmem:s24+$0x16800];
	_ =	sdelay $0x3  }
0x21: {  	_ = 	snop  }
0x22: {  	v3 =	vmax.f32 v3, v5;
	s23 =	simm.s32 $0x200;
	s24 =	simm.s32 $0x0;
	v4 =	vmin.f32 v4, v6  }
.LBB2_4:
0x23: {  	p0 =	sne.s32 s23, $0xC800;
	[tilespmem:s24+$0x10000] =	vst v0;
	s24 =	smov.u32 s23;
	s23 =	sadd.s32 $0x200, s23  }
.Ltmp3:
0x24: {  	(pc) =	sbr.rel @p0 .LBB2_4-.Ltmp3, $2  }
0x25: {  	_ =	sdelay $0x2  }
0x26: {  	s24 =	sshra.s32 s24, $0x2  }
0x27: {  	[tilespmem:s24+$0x10000] =	vst v0;
	s24 =	simm.s32 $0x200;
	s23 =	simm.s32 $0x0  }
.LBB2_6:
0x28: {  	p0 =	sne.s32 s24, $0xC800;
	[tilespmem:s23+$0x13400] =	vst v0;
	s23 =	smov.u32 s24;
	s24 =	sadd.s32 $0x200, s24  }
.Ltmp4:
0x29: {  	(pc) =	sbr.rel @p0 .LBB2_6-.Ltmp4, $2  }
0x2a: {  	_ =	sdelay $0x2  }
0x2b: {  	s23 =	sshra.s32 s23, $0x2  }
0x2c: {  	(xrf0) =	vmin.scan.msk.f32 $0xffff, v4;
	_ =	sdelay $0x1  }
0x2d: {  	(xrf0) =	vmax.scan.msk.f32 $0xffff, v3;
	_ =	sdelay $0x3  }
0x2e: {  	v3, _, _ =	vpop (xrf0)  }
0x2f: {  	(v2sf) =	vpush v3, $0xF  }
0x30: {  	v3, _, _ =	vpop (xrf0)  }
0x31: {  	(v2sf) =	vpush v3, $0xF;
	_ =	sdelay $0xc  }
0x32: {  	s24 =	spop (v2sf)  }
0x33: {  	s24 =	sadd.f32 $1.000000010e-01, s24  }
0x34: {  	s25 =	spop (v2sf)  }
0x35: {  	s25 =	ssub.f32 s25, s24;
	_ =	sdelay $0x1  }
0x36: {  	v3 =	vmov s25  }
0x37: {  	(erf) = vrcp.f32 v3;
	_ =	sdelay $0x4  }
0x38: {  	[tilespmem:s23+$0x13400] =	vst v0;
	s23 =	simm.s32 $0x0  }
0x39: {  	[tilespmem:s23], [sflag:$0x1] =	stream.linear.gather [hbm4b:s6+s23], $0x8000, $0x38;
	[tilespmem:$0x18800] =	vst v63  }
0x3a: {  	_ = 	snop  }
0x3b: {  	[tilespmem:s17], [sflag:$0x2] =	stream.linear.gather [hbm4b:s7+s23], $0x8000, $0x38;
	[tilespmem:$0x18800] =	vst v63  }
0x3c: {  	v3 =	vmov s24;
	s24 =	simm.s32 $0x0;
	v4 =	vpop (erf)  }
.LBB2_8:
0x3d: {  	_ =	swait.ge [sflag:s18], $0x8000;
	s25 =	simm.s32 $0x0  }
0x3e: {  	s26 =	sand.u32 $0xC00, s23;
	s28 =	simm.s32 $0x0;
	s25 =	sand.u32 $0x7000, s25  }
0x3f: {  	[sflag:s18] =	ssyncset.done $0x0;
	s28 =	sand.u32 $0x380, s28;
	s25 =	sor.u32 s26, s25  }
0x40: {  	[sflag:s18] =	ssyncadd.s32 $0xFFFF8000;
	s25 =	sor.u32 s28, s25  }
0x41: {  	v5 =	vld [tilespmem:s25+$0x70]  }
0x42: {  	v6 =	vld [tilespmem:s25+$0x0]  }
0x43: {  	v7 =	vld [tilespmem:s25+$0x10]  }
0x44: {  	v8 =	vld [tilespmem:s25+$0x20]  }
0x45: {  	v10 =	vld [tilespmem:s25+$0x40]  }
0x46: {  	v9 =	vld [tilespmem:s25+$0x30];
	_ =	sdelay $0x1  }
0x47: {  	v11 =	vsub.f32 v5, v3;
	v12 =	vsub.f32 v6, v3;
	vm2 =	vge.f32 v6, v3  }
0x48: {  	v13 =	vsub.f32 v7, v3;
	v14 =	vsub.f32 v8, v3;
	vm1 =	vge.f32 v8, v3  }
0x49: {  	v15 =	vsub.f32 v10, v3;
	v11 =	vmul.f32 v11, v4;
	v12 =	vmul.f32 v12, v4  }
0x4a: {  	v6 =	vld [tilespmem:s25+$0x50];
	v8 =	vmul.f32 v13, v4;
	v13 =	vsub.f32 v9, v3;
	v14 =	vmul.f32 v14, v4  }
0x4b: {  	vm0 =	vge.f32 v7, v3;
	v7 =	vld [tilespmem:s25+$0x60];
	v15 =	vmul.f32 v15, v4;
	v11 =	vmul.f32 $1.000000000e+02, v11  }
0x4c: {  	s30 =	simm.s32 $0x80;
	s25 =	simm.s32 $0x400;
	v12 =	vmul.f32 $1.000000000e+02, v12;
	v13 =	vmul.f32 v13, v4  }
0x4d: {  	s29 =	simm.s32 $0x20;
	s26 =	sand.u32 $0x7000, s30;
	vm4 =	vge.f32 v5, v3;
	s31 =	sand.u32 $0xC00, s25;
	v8 =	vmul.f32 $1.000000000e+02, v8;
	v5 =	vmul.f32 $1.000000000e+02, v14  }
0x4e: {  	s29 =	sand.u32 $0x380, s29;
	s26 =	sor.u32 s31, s26;
	v14 =	vmul.f32 $1.000000000e+02, v15;
	v11 =	vtrunc.f32 v11  }
0x4f: {  	s26 =	sor.u32 s29, s26;
	v16 =	vsub.f32 v6, v3;
	v13 =	vmul.f32 $1.000000000e+02, v13;
	v12 =	vtrunc.f32 v12  }
0x50: {  	v18 =	vld [tilespmem:s26+$0x30];
	v17 =	vsub.f32 v7, v3;
	v8 =	vtrunc.f32 v8;
	v5 =	vtrunc.f32 v5  }
0x51: {  	vm3 =	vge.f32 v9, v3;
	v19 =	vld [tilespmem:s26+$0x40];
	v11 =	vcvt.f32.s32 v11;
	v9 =	vmul.f32 v16, v4  }
0x52: {  	v58 =	vld [tilespmem:s26+$0x60];
	vm12 =	vge.f32 v7, v3;
	v55 =	vmul.f32 v17, v4;
	v7 =	vcvt.f32.s32 v8  }
0x53: {  	v5 =	vcvt.f32.s32 v5;
	v13 =	vtrunc.f32 v13  }
0x54: {  	vm5 =	vlt.u32 v11, $0x65;
	v9 =	vmul.f32 $1.000000000e+02, v9;
	v15 =	vmul.f32 $1.000000000e+02, v55  }
0x55: {  	v11 =	vshll.u32 v11, $0x7;
	v8 =	vcvt.f32.s32 v13;
	vm8 =	vlt.u32 v7, $0x65  }
0x56: {  	vm9 =	vlt.u32 v5, $0x65;
	v7 =	vshll.u32 v7, $0x7;
	v59 =	vsub.f32 v18, v3  }
0x57: {  	v5 =	vshll.u32 v5, $0x7;
	v23 =	vsub.f32 v19, v3;
	v60 =	vsub.f32 v58, v3  }
0x58: {  	vm6 =	vmand vm4, vm5;
	v11 =	vor.u32 v1, v11;
	vm4 =	vge.f32 v10, v3  }
0x59: {  	v10 =	vtrunc.f32 v14;
	vm5 =	vge.f32 v6, v3;
	v6 =	vcvt.f32.s32 v12  }
0x5a: {  	vm11 =	vmand vm0, vm8;
	vm10 =	vmand vm1, vm9;
	v7 =	vor.u32 v1, v7  }
0x5b: {  	v5 =	vor.u32 v1, v5;
	v9 =	vtrunc.f32 v9;
	v12 =	vtrunc.f32 v15  }
0x5c: {  	v13 =	vld [tilespmem:s26+$0x70];
	v10 =	vcvt.f32.s32 v10;
	vm13 =	vlt.u32 v8, $0x65;
	v8 =	vshll.u32 v8, $0x7  }
0x5d: {  	v23 =	vmul.f32 v23, v4;
	vm7 =	vlt.u32 v6, $0x65;
	v9 =	vcvt.f32.s32 v9  }
0x5e: {  	v14 =	vld [tilespmem:s26+$0x0];
	v12 =	vcvt.f32.s32 v12;
	v6 =	vshll.u32 v6, $0x7;
	vm8 =	vmand vm3, vm13  }
0x5f: {  	v8 =	vor.u32 v1, v8;
	vm14 =	vlt.u32 v10, $0x65;
	vm7 =	vmand vm2, vm7  }
0x60: {  	v10 =	vshll.u32 v10, $0x7;
	vm15 =	vlt.u32 v9, $0x65;
	v15 =	vshll.u32 v9, $0x7;
	v9 =	vld [tilespmem:s26+$0x10]  }
0x61: {  	v6 =	vor.u32 v1, v6;
	vm2 =	vlt.u32 v12, $0x65;
	v57 =	vsub.f32 v13, v3  }
0x62: {  	v61 =	vmul.f32 $1.000000000e+02, v23;
	v56 =	vshll.u32 v12, $0x7;
	v12 =	vld [tilespmem:s26+$0x20];
	vm0 =	vmand vm12, vm2  }
0x63: {  	v20 =	vsub.f32 v14, v3;
	vm2 =	vge.f32 v14, v3;
	v14 =	vld [tilespmem:s26+$0x50];
	v17 =	vmul.f32 v57, v4  }
0x64: {  	vm9 =	vmand vm4, vm14;
	v24 =	vor.u32 v1, v10;
	[tilespmem:v11+s19+$0x0] =	vst.idx.add.f32.msk vm6, v2;
	v11 =	vmul.f32 v60, v4  }
0x65: {  	v21 =	vsub.f32 v9, v3;
	vm3 =	vge.f32 v9, v3;
	v9 =	vmul.f32 $1.000000000e+02, v17  }
0x66: {  	vm1 =	vmand vm5, vm15;
	vm12 =	vge.f32 v13, v3;
	v20 =	vmul.f32 v20, v4  }
0x67: {  	vm5 =	vge.f32 v18, v3;
	v11 =	vmul.f32 $1.000000000e+02, v11;
	v9 =	vtrunc.f32 v9  }
0x68: {  	v22 =	vsub.f32 v12, v3;
	vm4 =	vge.f32 v12, v3;
	v9 =	vcvt.f32.s32 v9  }
0x69: {  	v20 =	vmul.f32 $1.000000000e+02, v20;
	v13 =	vsub.f32 v14, v3;
	v11 =	vtrunc.f32 v11  }
0x6a: {  	v12 =	vmul.f32 v21, v4;
	v22 =	vmul.f32 v22, v4;
	vm13 =	vlt.u32 v9, $0x65  }
0x6b: {  	v21 =	vmul.f32 v59, v4;
	v9 =	vshll.u32 v9, $0x7;
	vm12 =	vmand vm12, vm13  }
0x6c: {  	[tilespmem:v7+s19+$0x0] =	vst.idx.add.f32.msk vm11, v2;
	v10 =	vmul.f32 $1.000000000e+02, v12;
	v12 =	vmul.f32 v13, v4;
	v62 =	vor.u32 v1, v9  }
0x6d: {  	vm6 =	vge.f32 v19, v3;
	[tilespmem:v5+s19+$0x0] =	vst.idx.add.f32.msk vm10, v2;
	v63 =	vtrunc.f32 v20;
	v13 =	vmul.f32 $1.000000000e+02, v22  }
0x6e: {  	v5 =	vor.u32 v1, v15;
	[tilespmem:v6+s19+$0x0] =	vst.idx.add.f32.msk vm7, v2;
	v6 =	vmul.f32 $1.000000000e+02, v21;
	v7 =	vmul.f32 $1.000000000e+02, v12  }
0x6f: {  	[tilespmem:v8+s19+$0x0] =	vst.idx.add.f32.msk vm8, v2;
	vm8 =	vge.f32 v58, v3;
	v10 =	vtrunc.f32 v10;
	v13 =	vtrunc.f32 v13  }
0x70: {  	vm7 =	vge.f32 v14, v3;
	[tilespmem:v24+s19+$0x0] =	vst.idx.add.f32.msk vm9, v2;
	v9 =	vtrunc.f32 v6;
	v12 =	vtrunc.f32 v61  }
0x71: {  	s26 =	simm.s32 $0x8;
	v6 =	vor.u32 v1, v56;
	v8 =	vtrunc.f32 v7;
	v7 =	vcvt.f32.s32 v63;
	[tilespmem:v62+s19+$0x0] =	vst.idx.add.f32.msk vm12, v2  }
.LBB2_9:
0x72: {  	s26 =	sadd.s32 $0x8, s26;
	v10 =	vcvt.f32.s32 v10;
	v13 =	vcvt.f32.s32 v13  }
0x73: {  	v9 =	vcvt.f32.s32 v9;
	v12 =	vcvt.f32.s32 v12;
	s25 =	sadd.s32 $0x400, s25;
	s28 =	sshll.u32 s26, $0x4;
	p0 =	slt.u32 s26, $0x7F8;
	vm9 =	vlt.u32 v7, $0x65  }
0x74: {  	v8 =	vcvt.f32.s32 v8;
	v11 =	vcvt.f32.s32 v11;
	s29 =	sand.u32 $0xC00, s25;
	s30 =	sshll.u32 s26, $0x2;
	s28 =	sand.u32 $0x7000, s28;
	vm10 =	vlt.u32 v10, $0x65  }
0x75: {  	s30 =	sand.u32 $0x380, s30;
	vm12 =	vlt.u32 v13, $0x65;
	vm13 =	vlt.u32 v9, $0x65;
	vm14 =	vlt.u32 v12, $0x65;
	s28 =	sor.u32 s29, s28;
	[tilespmem:v5+s19+$0x0] =	vst.idx.add.f32.msk vm1, v2  }
0x76: {  	vm15 =	vlt.u32 v11, $0x65;
	v5 =	vshll.u32 v7, $0x7;
	vm1 =	vlt.u32 v8, $0x65;
	s28 =	sor.u32 s30, s28;
	[tilespmem:v6+s19+$0x0] =	vst.idx.add.f32.msk vm0, v2  }
0x77: {  	v9 =	vshll.u32 v9, $0x7;
	v7 =	vshll.u32 v10, $0x7;
	v10 =	vshll.u32 v13, $0x7;
	v6 =	vld [tilespmem:s28+$0x70]  }
0x78: {  	v12 =	vshll.u32 v12, $0x7;
	v14 =	vshll.u32 v8, $0x7;
	v15 =	vshll.u32 v11, $0x7;
	v13 =	vld [tilespmem:s28+$0x0]  }
0x79: {  	vm11 =	vmand vm2, vm9;
	vm10 =	vmand vm3, vm10;
	vm9 =	vmand vm4, vm12;
	v8 =	vld [tilespmem:s28+$0x10]  }
0x7a: {  	vm5 =	vmand vm5, vm13;
	vm6 =	vmand vm6, vm14;
	vm1 =	vmand vm7, vm1;
	v11 =	vld [tilespmem:s28+$0x20]  }
0x7b: {  	v5 =	vor.u32 v1, v5;
	v7 =	vor.u32 v1, v7;
	vm0 =	vmand vm8, vm15;
	v16 =	vld [tilespmem:s28+$0x30]  }
0x7c: {  	v9 =	vor.u32 v1, v9;
	v10 =	vor.u32 v1, v10;
	v17 =	vld [tilespmem:s28+$0x40];
	v18 =	vsub.f32 v6, v3  }
0x7d: {  	v12 =	vor.u32 v1, v12;
	v19 =	vsub.f32 v13, v3;
	vm2 =	vge.f32 v13, v3;
	v13 =	vld [tilespmem:s28+$0x50]  }
0x7e: {  	v20 =	vsub.f32 v8, v3;
	vm3 =	vge.f32 v8, v3;
	v8 =	vld [tilespmem:s28+$0x60];
	v18 =	vmul.f32 v18, v4  }
0x7f: {  	v19 =	vmul.f32 v19, v4;
	v21 =	vsub.f32 v11, v3;
	vm4 =	vge.f32 v11, v3  }
0x80: {  	v11 =	vmul.f32 v20, v4;
	v20 =	vsub.f32 v16, v3;
	v18 =	vmul.f32 $1.000000000e+02, v18;
	[tilespmem:v5+s19+$0x0] =	vst.idx.add.f32.msk vm11, v2  }
0x81: {  	v5 =	vmul.f32 $1.000000000e+02, v19;
	v19 =	vmul.f32 v21, v4;
	v21 =	vsub.f32 v17, v3;
	[tilespmem:v7+s19+$0x0] =	vst.idx.add.f32.msk vm10, v2  }
0x82: {  	v7 =	vmul.f32 v20, v4;
	v20 =	vsub.f32 v13, v3;
	v18 =	vtrunc.f32 v18;
	[tilespmem:v10+s19+$0x0] =	vst.idx.add.f32.msk vm9, v2  }
0x83: {  	v10 =	vmul.f32 v21, v4;
	v21 =	vsub.f32 v8, v3;
	v18 =	vcvt.f32.s32 v18;
	[tilespmem:v9+s19+$0x0] =	vst.idx.add.f32.msk vm5, v2  }
0x84: {  	v9 =	vmul.f32 $1.000000000e+02, v11;
	vm5 =	vge.f32 v16, v3;
	v11 =	vmul.f32 v20, v4;
	[tilespmem:v12+s19+$0x0] =	vst.idx.add.f32.msk vm6, v2  }
0x85: {  	vm6 =	vge.f32 v6, v3;
	v12 =	vmul.f32 v21, v4;
	vm7 =	vlt.u32 v18, $0x65  }
0x86: {  	v6 =	vmul.f32 $1.000000000e+02, v19;
	v16 =	vshll.u32 v18, $0x7;
	vm9 =	vmand vm6, vm7  }
0x87: {  	v7 =	vmul.f32 $1.000000000e+02, v7;
	v18 =	vmul.f32 $1.000000000e+02, v10;
	v16 =	vor.u32 v1, v16  }
.Ltmp5:
0x88: {  	vm6 =	vge.f32 v17, v3;
	v11 =	vmul.f32 $1.000000000e+02, v11;
	v17 =	vmul.f32 $1.000000000e+02, v12;
	(pc) =	sbr.rel @p0 .LBB2_9-.Ltmp5, $4  }
0x89: {  	v19 =	vtrunc.f32 v5;
	v10 =	vtrunc.f32 v9;
	vm7 =	vge.f32 v13, v3  }
0x8a: {  	vm8 =	vge.f32 v8, v3;
	v13 =	vtrunc.f32 v6;
	v9 =	vtrunc.f32 v7  }
0x8b: {  	v5 =	vor.u32 v1, v14;
	v12 =	vtrunc.f32 v18;
	v8 =	vtrunc.f32 v11  }
0x8c: {  	v7 =	vcvt.f32.s32 v19;
	v6 =	vor.u32 v1, v15;
	v11 =	vtrunc.f32 v17;
	[tilespmem:v16+s19+$0x0] =	vst.idx.add.f32.msk vm9, v2  }
0x8d: {  	v10 =	vcvt.f32.s32 v10;
	v13 =	vcvt.f32.s32 v13  }
0x8e: {  	v9 =	vcvt.f32.s32 v9;
	v12 =	vcvt.f32.s32 v12  }
0x8f: {  	v8 =	vcvt.f32.s32 v8;
	v11 =	vcvt.f32.s32 v11  }
0x90: {  	vm9 =	vlt.u32 v7, $0x65;
	v7 =	vshll.u32 v7, $0x7;
	vm10 =	vlt.u32 v10, $0x65  }
0x91: {  	vm11 =	vlt.u32 v13, $0x65;
	vm12 =	vlt.u32 v9, $0x65;
	vm13 =	vlt.u32 v12, $0x65  }
0x92: {  	vm14 =	vlt.u32 v8, $0x65;
	vm2 =	vmand vm2, vm9;
	vm9 =	vlt.u32 v11, $0x65  }
0x93: {  	v10 =	vshll.u32 v10, $0x7;
	v7 =	vor.u32 v1, v7;
	vm3 =	vmand vm3, vm10  }
0x94: {  	v13 =	vshll.u32 v13, $0x7;
	vm4 =	vmand vm4, vm11;
	v10 =	vor.u32 v1, v10  }
0x95: {  	v9 =	vshll.u32 v9, $0x7;
	vm5 =	vmand vm5, vm12;
	v13 =	vor.u32 v1, v13  }
0x96: {  	[tilespmem:v5+s19+$0x0] =	vst.idx.add.f32.msk vm1, v2;
	v5 =	vshll.u32 v12, $0x7;
	vm1 =	vmand vm6, vm13;
	v9 =	vor.u32 v1, v9  }
0x97: {  	[tilespmem:v6+s19+$0x0] =	vst.idx.add.f32.msk vm0, v2;
	v6 =	vshll.u32 v8, $0x7;
	vm0 =	vmand vm7, vm14;
	v5 =	vor.u32 v1, v5  }
0x98: {  	v8 =	vshll.u32 v11, $0x7;
	vm6 =	vmand vm8, vm9;
	v6 =	vor.u32 v1, v6;
	[tilespmem:v7+s19+$0x0] =	vst.idx.add.f32.msk vm2, v2  }
0x99: {  	v7 =	vor.u32 v1, v8;
	[tilespmem:v10+s19+$0x0] =	vst.idx.add.f32.msk vm3, v2  }
0x9a: {  	[tilespmem:v13+s19+$0x0] =	vst.idx.add.f32.msk vm4, v2  }
0x9b: {  	s25 =	sshll.u32 s24, $0x10;
	p0 =	seq.s32 s24, $0xB;
	[tilespmem:v9+s19+$0x0] =	vst.idx.add.f32.msk vm5, v2  }
0x9c: {  	s26 =	sadd.s32 @!p0 s25, s8;
	[tilespmem:v5+s19+$0x0] =	vst.idx.add.f32.msk vm1, v2  }
0x9d: {  	s26 =	sshrl.u32 @!p0 s26, $0x3;
	[tilespmem:v6+s19+$0x0] =	vst.idx.add.f32.msk vm0, v2  }
0x9e: {  	s28 =	simm.s32 @!p0 $0x0;
	s26 =	sadd.s32 @!p0 s1, s26;
	[tilespmem:v7+s19+$0x0] =	vst.idx.add.f32.msk vm6, v2  }
0x9f: {  	[tilespmem:s28], [sflag:$0x1] =	stream.linear.gather @!p0 [hbm4b:s26+s28], $0x8000, $0x38;
	[tilespmem:$0x18800] =	vst v63  }
0xa0: {  	s30 =	simm.s32 $0x0;
	s29 =	simm.s32 $0x0;
	s28 =	simm.s32 $0x0  }
0xa1: {  	s26 =	sand.u32 $0xC00, s30;
	_ =	swait.ge [sflag:s20], $0x8000;
	s28 =	sand.u32 $0x7000, s28  }
0xa2: {  	s29 =	sand.u32 $0x380, s29;
	[sflag:s20] =	ssyncset.done $0x0;
	s26 =	sor.u32 s26, s28  }
0xa3: {  	[sflag:s20] =	ssyncadd.s32 $0xFFFF8000;
	s26 =	sor.u32 s29, s26  }
0xa4: {  	v5 =	vld [tilespmem:s26+$0x8070]  }
0xa5: {  	v6 =	vld [tilespmem:s26+$0x8000]  }
0xa6: {  	v7 =	vld [tilespmem:s26+$0x8010]  }
0xa7: {  	v8 =	vld [tilespmem:s26+$0x8020]  }
0xa8: {  	v10 =	vld [tilespmem:s26+$0x8040]  }
0xa9: {  	v9 =	vld [tilespmem:s26+$0x8030];
	_ =	sdelay $0x1  }
0xaa: {  	v11 =	vsub.f32 v5, v3;
	v12 =	vsub.f32 v6, v3;
	vm10 =	vge.f32 v6, v3  }
0xab: {  	v13 =	vsub.f32 v7, v3;
	v14 =	vsub.f32 v8, v3;
	vm2 =	vge.f32 v8, v3  }
0xac: {  	v15 =	vsub.f32 v10, v3;
	v11 =	vmul.f32 v11, v4;
	v12 =	vmul.f32 v12, v4  }
0xad: {  	v6 =	vld [tilespmem:s26+$0x8050];
	v8 =	vmul.f32 v13, v4;
	v13 =	vsub.f32 v9, v3;
	v14 =	vmul.f32 v14, v4  }
0xae: {  	vm1 =	vge.f32 v7, v3;
	v7 =	vld [tilespmem:s26+$0x8060];
	v15 =	vmul.f32 v15, v4;
	v11 =	vmul.f32 $1.000000000e+02, v11  }
0xaf: {  	s28 =	simm.s32 $0x80;
	s26 =	simm.s32 $0x400;
	v12 =	vmul.f32 $1.000000000e+02, v12;
	v13 =	vmul.f32 v13, v4  }
0xb0: {  	s30 =	simm.s32 $0x20;
	s28 =	sand.u32 $0x7000, s28;
	vm4 =	vge.f32 v5, v3;
	s31 =	sand.u32 $0xC00, s26;
	v8 =	vmul.f32 $1.000000000e+02, v8;
	v5 =	vmul.f32 $1.000000000e+02, v14  }
0xb1: {  	s30 =	sand.u32 $0x380, s30;
	s28 =	sor.u32 s31, s28;
	v14 =	vmul.f32 $1.000000000e+02, v15;
	v11 =	vtrunc.f32 v11  }
0xb2: {  	s28 =	sor.u32 s30, s28;
	v16 =	vsub.f32 v6, v3;
	v13 =	vmul.f32 $1.000000000e+02, v13;
	v12 =	vtrunc.f32 v12  }
0xb3: {  	v18 =	vld [tilespmem:s28+$0x8030];
	v17 =	vsub.f32 v7, v3;
	v8 =	vtrunc.f32 v8;
	v5 =	vtrunc.f32 v5  }
0xb4: {  	vm3 =	vge.f32 v9, v3;
	v19 =	vld [tilespmem:s28+$0x8040];
	v11 =	vcvt.f32.s32 v11;
	v9 =	vmul.f32 v16, v4  }
0xb5: {  	v58 =	vld [tilespmem:s28+$0x8060];
	vm12 =	vge.f32 v7, v3;
	v55 =	vmul.f32 v17, v4;
	v7 =	vcvt.f32.s32 v8  }
0xb6: {  	v5 =	vcvt.f32.s32 v5;
	v13 =	vtrunc.f32 v13  }
0xb7: {  	vm5 =	vlt.u32 v11, $0x65;
	v9 =	vmul.f32 $1.000000000e+02, v9;
	v15 =	vmul.f32 $1.000000000e+02, v55  }
0xb8: {  	v11 =	vshll.u32 v11, $0x7;
	v8 =	vcvt.f32.s32 v13;
	vm8 =	vlt.u32 v7, $0x65  }
0xb9: {  	vm9 =	vlt.u32 v5, $0x65;
	v7 =	vshll.u32 v7, $0x7;
	v59 =	vsub.f32 v18, v3  }
0xba: {  	v5 =	vshll.u32 v5, $0x7;
	v23 =	vsub.f32 v19, v3;
	v60 =	vsub.f32 v58, v3  }
0xbb: {  	vm6 =	vmand vm4, vm5;
	v11 =	vor.u32 v1, v11;
	vm4 =	vge.f32 v10, v3  }
0xbc: {  	v10 =	vtrunc.f32 v14;
	vm5 =	vge.f32 v6, v3;
	v6 =	vcvt.f32.s32 v12  }
0xbd: {  	v7 =	vor.u32 v1, v7;
	v5 =	vor.u32 v1, v5;
	v9 =	vtrunc.f32 v9  }
0xbe: {  	v12 =	vtrunc.f32 v15;
	v10 =	vcvt.f32.s32 v10;
	vm13 =	vlt.u32 v8, $0x65  }
0xbf: {  	v13 =	vld [tilespmem:s28+$0x8070];
	v8 =	vshll.u32 v8, $0x7;
	v23 =	vmul.f32 v23, v4;
	vm7 =	vlt.u32 v6, $0x65  }
0xc0: {  	v9 =	vcvt.f32.s32 v9;
	v12 =	vcvt.f32.s32 v12;
	v6 =	vshll.u32 v6, $0x7  }
0xc1: {  	v14 =	vld [tilespmem:s28+$0x8000];
	v8 =	vor.u32 v1, v8;
	vm14 =	vlt.u32 v10, $0x65;
	v10 =	vshll.u32 v10, $0x7  }
0xc2: {  	vm11 =	vmand vm10, vm7;
	vm10 =	vmand vm1, vm8;
	vm7 =	vmand vm2, vm9  }
0xc3: {  	vm8 =	vmand vm3, vm13;
	vm15 =	vlt.u32 v9, $0x65;
	v15 =	vshll.u32 v9, $0x7;
	v9 =	vld [tilespmem:s28+$0x8010]  }
0xc4: {  	v6 =	vor.u32 v1, v6;
	v61 =	vmul.f32 $1.000000000e+02, v23;
	v57 =	vsub.f32 v13, v3  }
0xc5: {  	vm0 =	vlt.u32 v12, $0x65;
	v56 =	vshll.u32 v12, $0x7;
	v12 =	vld [tilespmem:s28+$0x8020];
	vm9 =	vmand vm4, vm14  }
0xc6: {  	v20 =	vsub.f32 v14, v3;
	vm2 =	vge.f32 v14, v3;
	v14 =	vld [tilespmem:s28+$0x8050];
	v17 =	vmul.f32 v57, v4  }
0xc7: {  	v24 =	vor.u32 v1, v10;
	vm1 =	vmand vm5, vm15;
	[tilespmem:v11+s19+$0x0] =	vst.idx.add.f32.msk vm6, v2;
	v11 =	vmul.f32 v60, v4  }
0xc8: {  	v21 =	vsub.f32 v9, v3;
	vm3 =	vge.f32 v9, v3;
	v9 =	vmul.f32 $1.000000000e+02, v17  }
0xc9: {  	vm0 =	vmand vm12, vm0;
	vm12 =	vge.f32 v13, v3;
	v20 =	vmul.f32 v20, v4  }
0xca: {  	vm5 =	vge.f32 v18, v3;
	v11 =	vmul.f32 $1.000000000e+02, v11;
	v9 =	vtrunc.f32 v9  }
0xcb: {  	v22 =	vsub.f32 v12, v3;
	vm4 =	vge.f32 v12, v3;
	v9 =	vcvt.f32.s32 v9  }
0xcc: {  	v20 =	vmul.f32 $1.000000000e+02, v20;
	v13 =	vsub.f32 v14, v3;
	v11 =	vtrunc.f32 v11  }
0xcd: {  	v12 =	vmul.f32 v21, v4;
	v22 =	vmul.f32 v22, v4;
	vm13 =	vlt.u32 v9, $0x65  }
0xce: {  	v21 =	vmul.f32 v59, v4;
	v9 =	vshll.u32 v9, $0x7;
	vm12 =	vmand vm12, vm13  }
0xcf: {  	[tilespmem:v6+s19+$0x0] =	vst.idx.add.f32.msk vm11, v2;
	v10 =	vmul.f32 $1.000000000e+02, v12;
	v12 =	vmul.f32 v13, v4;
	v62 =	vor.u32 v1, v9  }
0xd0: {  	vm6 =	vge.f32 v19, v3;
	[tilespmem:v7+s19+$0x0] =	vst.idx.add.f32.msk vm10, v2;
	v63 =	vtrunc.f32 v20;
	v13 =	vmul.f32 $1.000000000e+02, v22  }
0xd1: {  	[tilespmem:v8+s19+$0x0] =	vst.idx.add.f32.msk vm8, v2;
	vm8 =	vge.f32 v58, v3;
	v6 =	vmul.f32 $1.000000000e+02, v21;
	v7 =	vmul.f32 $1.000000000e+02, v12  }
0xd2: {  	[tilespmem:v5+s19+$0x0] =	vst.idx.add.f32.msk vm7, v2;
	v5 =	vor.u32 v1, v15;
	v10 =	vtrunc.f32 v10;
	v13 =	vtrunc.f32 v13  }
0xd3: {  	vm7 =	vge.f32 v14, v3;
	[tilespmem:v24+s19+$0x0] =	vst.idx.add.f32.msk vm9, v2;
	v9 =	vtrunc.f32 v6;
	v12 =	vtrunc.f32 v61  }
0xd4: {  	s28 =	simm.s32 $0x8;
	v6 =	vor.u32 v1, v56;
	v8 =	vtrunc.f32 v7;
	v7 =	vcvt.f32.s32 v63;
	[tilespmem:v62+s19+$0x0] =	vst.idx.add.f32.msk vm12, v2  }
.LBB2_11:
0xd5: {  	s28 =	sadd.s32 $0x8, s28;
	v10 =	vcvt.f32.s32 v10;
	v13 =	vcvt.f32.s32 v13  }
0xd6: {  	v9 =	vcvt.f32.s32 v9;
	v12 =	vcvt.f32.s32 v12;
	s26 =	sadd.s32 $0x400, s26;
	s29 =	sshll.u32 s28, $0x4;
	p1 =	slt.u32 s28, $0x7F8;
	vm9 =	vlt.u32 v7, $0x65  }
0xd7: {  	v8 =	vcvt.f32.s32 v8;
	v11 =	vcvt.f32.s32 v11;
	s30 =	sand.u32 $0xC00, s26;
	s31 =	sshll.u32 s28, $0x2;
	s29 =	sand.u32 $0x7000, s29;
	vm10 =	vlt.u32 v10, $0x65  }
0xd8: {  	s31 =	sand.u32 $0x380, s31;
	vm12 =	vlt.u32 v13, $0x65;
	vm13 =	vlt.u32 v9, $0x65;
	vm14 =	vlt.u32 v12, $0x65;
	s29 =	sor.u32 s30, s29;
	[tilespmem:v5+s19+$0x0] =	vst.idx.add.f32.msk vm1, v2  }
0xd9: {  	vm15 =	vlt.u32 v11, $0x65;
	v5 =	vshll.u32 v7, $0x7;
	vm1 =	vlt.u32 v8, $0x65;
	s29 =	sor.u32 s31, s29;
	[tilespmem:v6+s19+$0x0] =	vst.idx.add.f32.msk vm0, v2  }
0xda: {  	v9 =	vshll.u32 v9, $0x7;
	v7 =	vshll.u32 v10, $0x7;
	v10 =	vshll.u32 v13, $0x7;
	v6 =	vld [tilespmem:s29+$0x8070]  }
0xdb: {  	v12 =	vshll.u32 v12, $0x7;
	v14 =	vshll.u32 v8, $0x7;
	v15 =	vshll.u32 v11, $0x7;
	v13 =	vld [tilespmem:s29+$0x8000]  }
0xdc: {  	vm11 =	vmand vm2, vm9;
	vm10 =	vmand vm3, vm10;
	vm9 =	vmand vm4, vm12;
	v8 =	vld [tilespmem:s29+$0x8010]  }
0xdd: {  	vm5 =	vmand vm5, vm13;
	vm6 =	vmand vm6, vm14;
	vm1 =	vmand vm7, vm1;
	v11 =	vld [tilespmem:s29+$0x8020]  }
0xde: {  	v5 =	vor.u32 v1, v5;
	v7 =	vor.u32 v1, v7;
	vm0 =	vmand vm8, vm15;
	v16 =	vld [tilespmem:s29+$0x8030]  }
0xdf: {  	v9 =	vor.u32 v1, v9;
	v10 =	vor.u32 v1, v10;
	v17 =	vld [tilespmem:s29+$0x8040];
	v18 =	vsub.f32 v6, v3  }
0xe0: {  	v12 =	vor.u32 v1, v12;
	v19 =	vsub.f32 v13, v3;
	vm2 =	vge.f32 v13, v3;
	v13 =	vld [tilespmem:s29+$0x8050]  }
0xe1: {  	v20 =	vsub.f32 v8, v3;
	vm3 =	vge.f32 v8, v3;
	v8 =	vld [tilespmem:s29+$0x8060];
	v18 =	vmul.f32 v18, v4  }
0xe2: {  	v19 =	vmul.f32 v19, v4;
	v21 =	vsub.f32 v11, v3;
	vm4 =	vge.f32 v11, v3  }
0xe3: {  	v11 =	vmul.f32 v20, v4;
	v20 =	vsub.f32 v16, v3;
	v18 =	vmul.f32 $1.000000000e+02, v18;
	[tilespmem:v5+s19+$0x0] =	vst.idx.add.f32.msk vm11, v2  }
0xe4: {  	v5 =	vmul.f32 $1.000000000e+02, v19;
	v19 =	vmul.f32 v21, v4;
	v21 =	vsub.f32 v17, v3;
	[tilespmem:v7+s19+$0x0] =	vst.idx.add.f32.msk vm10, v2  }
0xe5: {  	v7 =	vmul.f32 v20, v4;
	v20 =	vsub.f32 v13, v3;
	v18 =	vtrunc.f32 v18;
	[tilespmem:v10+s19+$0x0] =	vst.idx.add.f32.msk vm9, v2  }
0xe6: {  	v10 =	vmul.f32 v21, v4;
	v21 =	vsub.f32 v8, v3;
	v18 =	vcvt.f32.s32 v18;
	[tilespmem:v9+s19+$0x0] =	vst.idx.add.f32.msk vm5, v2  }
0xe7: {  	v9 =	vmul.f32 $1.000000000e+02, v11;
	vm5 =	vge.f32 v16, v3;
	v11 =	vmul.f32 v20, v4;
	[tilespmem:v12+s19+$0x0] =	vst.idx.add.f32.msk vm6, v2  }
0xe8: {  	vm6 =	vge.f32 v6, v3;
	v12 =	vmul.f32 v21, v4;
	vm7 =	vlt.u32 v18, $0x65  }
0xe9: {  	v6 =	vmul.f32 $1.000000000e+02, v19;
	v16 =	vshll.u32 v18, $0x7;
	vm9 =	vmand vm6, vm7  }
0xea: {  	v7 =	vmul.f32 $1.000000000e+02, v7;
	v18 =	vmul.f32 $1.000000000e+02, v10;
	v16 =	vor.u32 v1, v16  }
.Ltmp6:
0xeb: {  	vm6 =	vge.f32 v17, v3;
	v11 =	vmul.f32 $1.000000000e+02, v11;
	v17 =	vmul.f32 $1.000000000e+02, v12;
	(pc) =	sbr.rel @p1 .LBB2_11-.Ltmp6, $4  }
0xec: {  	v19 =	vtrunc.f32 v5;
	v10 =	vtrunc.f32 v9;
	vm7 =	vge.f32 v13, v3  }
0xed: {  	vm8 =	vge.f32 v8, v3;
	v13 =	vtrunc.f32 v6;
	v9 =	vtrunc.f32 v7  }
0xee: {  	v5 =	vor.u32 v1, v14;
	v12 =	vtrunc.f32 v18;
	v8 =	vtrunc.f32 v11  }
0xef: {  	v7 =	vcvt.f32.s32 v19;
	v6 =	vor.u32 v1, v15;
	v11 =	vtrunc.f32 v17;
	[tilespmem:v16+s19+$0x0] =	vst.idx.add.f32.msk vm9, v2  }
0xf0: {  	v10 =	vcvt.f32.s32 v10;
	v13 =	vcvt.f32.s32 v13  }
0xf1: {  	v9 =	vcvt.f32.s32 v9;
	v12 =	vcvt.f32.s32 v12  }
0xf2: {  	v8 =	vcvt.f32.s32 v8;
	v11 =	vcvt.f32.s32 v11  }
0xf3: {  	vm9 =	vlt.u32 v7, $0x65;
	v7 =	vshll.u32 v7, $0x7;
	vm10 =	vlt.u32 v10, $0x65  }
0xf4: {  	vm11 =	vlt.u32 v13, $0x65;
	vm12 =	vlt.u32 v9, $0x65;
	vm13 =	vlt.u32 v12, $0x65  }
0xf5: {  	vm2 =	vmand vm2, vm9;
	vm14 =	vlt.u32 v8, $0x65;
	vm15 =	vlt.u32 v11, $0x65  }
0xf6: {  	v10 =	vshll.u32 v10, $0x7;
	v7 =	vor.u32 v1, v7;
	vm3 =	vmand vm3, vm10  }
0xf7: {  	v13 =	vshll.u32 v13, $0x7;
	vm4 =	vmand vm4, vm11;
	v10 =	vor.u32 v1, v10  }
0xf8: {  	v9 =	vshll.u32 v9, $0x7;
	vm5 =	vmand vm5, vm12;
	v13 =	vor.u32 v1, v13  }
0xf9: {  	[tilespmem:v5+s19+$0x0] =	vst.idx.add.f32.msk vm1, v2;
	v5 =	vshll.u32 v12, $0x7;
	vm13 =	vmand vm6, vm13;
	v9 =	vor.u32 v1, v9  }
0xfa: {  	[tilespmem:v6+s19+$0x0] =	vst.idx.add.f32.msk vm0, v2;
	v6 =	vshll.u32 v8, $0x7;
	vm14 =	vmand vm7, vm14;
	v5 =	vor.u32 v1, v5  }
0xfb: {  	v63 =	vshll.u32 v11, $0x7;
	vm15 =	vmand vm8, vm15;
	v6 =	vor.u32 v1, v6;
	[tilespmem:v7+s19+$0x0] =	vst.idx.add.f32.msk vm2, v2  }
0xfc: {  	v7 =	vor.u32 v1, v63;
	[tilespmem:v10+s19+$0x0] =	vst.idx.add.f32.msk vm3, v2  }
.Ltmp7:
0xfd: {  	[tilespmem:v13+s19+$0x0] =	vst.idx.add.f32.msk vm4, v2;
	(pc) =	sbr.rel @p0 .LBB2_14-.Ltmp7, $4  }
0xfe: {  	[tilespmem:v9+s19+$0x0] =	vst.idx.add.f32.msk vm5, v2  }
0xff: {  	[tilespmem:v5+s19+$0x0] =	vst.idx.add.f32.msk vm13, v2  }
0x100: {  	[tilespmem:v6+s19+$0x0] =	vst.idx.add.f32.msk vm14, v2  }
0x101: {  	[tilespmem:v7+s19+$0x0] =	vst.idx.add.f32.msk vm15, v2  }
.Ltmp8:
0x102: {  	(pc) =	sbr.rel .LBB2_8-.Ltmp8, $4  }
0x103: {  	s25 =	sadd.s32 s25, s9  }
0x104: {  	s25 =	sshrl.u32 s25, $0x3  }
0x105: {  	s24 =	sadd.s32 $0x1, s24;
	s25 =	sadd.s32 s1, s25  }
0x106: {  	[tilespmem:s17], [sflag:$0x2] =	stream.linear.gather [hbm4b:s25+s5], $0x8000, $0x38;
	[tilespmem:$0x18800] =	vst v63  }
.LBB2_14:
0x107: {  	s23 =	simm.s32 $0x0  }
0x108: {  	[tilespmem:s23], [sflag:$0x1] =	stream.linear.gather [hbm4b:s10+s23], $0x8000, $0x38;
	[tilespmem:$0x18800] =	vst v63  }
0x109: {  	s24 =	simm.s32 $0x0  }
0x10a: {  	[tilespmem:s17], [sflag:$0x2] =	stream.linear.gather [hbm4b:s11+s23], $0x8000, $0x38;
	[tilespmem:$0x18800] =	vst v63  }
.LBB2_15:
0x10b: {  	_ =	swait.ge [sflag:s18], $0x8000;
	s25 =	simm.s32 $0x0  }
0x10c: {  	s26 =	sand.u32 $0xC00, s23;
	s28 =	simm.s32 $0x0;
	s25 =	sand.u32 $0x7000, s25  }
0x10d: {  	[sflag:s18] =	ssyncset.done $0x0;
	s28 =	sand.u32 $0x380, s28;
	s25 =	sor.u32 s26, s25  }
0x10e: {  	[sflag:s18] =	ssyncadd.s32 $0xFFFF8000;
	s25 =	sor.u32 s28, s25  }
0x10f: {  	v5 =	vld [tilespmem:s25+$0x70]  }
0x110: {  	v6 =	vld [tilespmem:s25+$0x0]  }
0x111: {  	v7 =	vld [tilespmem:s25+$0x10]  }
0x112: {  	v8 =	vld [tilespmem:s25+$0x20]  }
0x113: {  	v10 =	vld [tilespmem:s25+$0x40]  }
0x114: {  	v9 =	vld [tilespmem:s25+$0x30];
	_ =	sdelay $0x1  }
0x115: {  	v11 =	vsub.f32 v5, v3;
	v12 =	vsub.f32 v6, v3;
	vm2 =	vge.f32 v6, v3  }
0x116: {  	v13 =	vsub.f32 v7, v3;
	v14 =	vsub.f32 v8, v3;
	vm1 =	vge.f32 v8, v3  }
0x117: {  	v15 =	vsub.f32 v10, v3;
	v11 =	vmul.f32 v11, v4;
	v12 =	vmul.f32 v12, v4  }
0x118: {  	v6 =	vld [tilespmem:s25+$0x50];
	v8 =	vmul.f32 v13, v4;
	v13 =	vsub.f32 v9, v3;
	v14 =	vmul.f32 v14, v4  }
0x119: {  	vm0 =	vge.f32 v7, v3;
	v7 =	vld [tilespmem:s25+$0x60];
	v15 =	vmul.f32 v15, v4;
	v11 =	vmul.f32 $1.000000000e+02, v11  }
0x11a: {  	s30 =	simm.s32 $0x80;
	s25 =	simm.s32 $0x400;
	v12 =	vmul.f32 $1.000000000e+02, v12;
	v13 =	vmul.f32 v13, v4  }
0x11b: {  	s29 =	simm.s32 $0x20;
	s26 =	sand.u32 $0x7000, s30;
	vm4 =	vge.f32 v5, v3;
	s31 =	sand.u32 $0xC00, s25;
	v8 =	vmul.f32 $1.000000000e+02, v8;
	v5 =	vmul.f32 $1.000000000e+02, v14  }
0x11c: {  	s29 =	sand.u32 $0x380, s29;
	s26 =	sor.u32 s31, s26;
	v14 =	vmul.f32 $1.000000000e+02, v15;
	v11 =	vtrunc.f32 v11  }
0x11d: {  	s26 =	sor.u32 s29, s26;
	v16 =	vsub.f32 v6, v3;
	v13 =	vmul.f32 $1.000000000e+02, v13;
	v12 =	vtrunc.f32 v12  }
0x11e: {  	v18 =	vld [tilespmem:s26+$0x30];
	v17 =	vsub.f32 v7, v3;
	v8 =	vtrunc.f32 v8;
	v5 =	vtrunc.f32 v5  }
0x11f: {  	vm3 =	vge.f32 v9, v3;
	v19 =	vld [tilespmem:s26+$0x40];
	v11 =	vcvt.f32.s32 v11;
	v9 =	vmul.f32 v16, v4  }
0x120: {  	v58 =	vld [tilespmem:s26+$0x60];
	vm12 =	vge.f32 v7, v3;
	v55 =	vmul.f32 v17, v4;
	v7 =	vcvt.f32.s32 v8  }
0x121: {  	v5 =	vcvt.f32.s32 v5;
	v13 =	vtrunc.f32 v13  }
0x122: {  	vm5 =	vlt.u32 v11, $0x65;
	v9 =	vmul.f32 $1.000000000e+02, v9;
	v15 =	vmul.f32 $1.000000000e+02, v55  }
0x123: {  	v11 =	vshll.u32 v11, $0x7;
	v8 =	vcvt.f32.s32 v13;
	vm8 =	vlt.u32 v7, $0x65  }
0x124: {  	vm9 =	vlt.u32 v5, $0x65;
	v7 =	vshll.u32 v7, $0x7;
	v59 =	vsub.f32 v18, v3  }
0x125: {  	v5 =	vshll.u32 v5, $0x7;
	v23 =	vsub.f32 v19, v3;
	v60 =	vsub.f32 v58, v3  }
0x126: {  	vm6 =	vmand vm4, vm5;
	v11 =	vor.u32 v1, v11;
	vm4 =	vge.f32 v10, v3  }
0x127: {  	v10 =	vtrunc.f32 v14;
	vm5 =	vge.f32 v6, v3;
	v6 =	vcvt.f32.s32 v12  }
0x128: {  	vm11 =	vmand vm0, vm8;
	vm10 =	vmand vm1, vm9;
	v7 =	vor.u32 v1, v7  }
0x129: {  	v5 =	vor.u32 v1, v5;
	v9 =	vtrunc.f32 v9;
	v12 =	vtrunc.f32 v15  }
0x12a: {  	v13 =	vld [tilespmem:s26+$0x70];
	v10 =	vcvt.f32.s32 v10;
	vm13 =	vlt.u32 v8, $0x65;
	v8 =	vshll.u32 v8, $0x7  }
0x12b: {  	v23 =	vmul.f32 v23, v4;
	vm7 =	vlt.u32 v6, $0x65;
	v9 =	vcvt.f32.s32 v9  }
0x12c: {  	v14 =	vld [tilespmem:s26+$0x0];
	v12 =	vcvt.f32.s32 v12;
	v6 =	vshll.u32 v6, $0x7;
	vm8 =	vmand vm3, vm13  }
0x12d: {  	v8 =	vor.u32 v1, v8;
	vm14 =	vlt.u32 v10, $0x65;
	vm7 =	vmand vm2, vm7  }
0x12e: {  	v10 =	vshll.u32 v10, $0x7;
	vm15 =	vlt.u32 v9, $0x65;
	v15 =	vshll.u32 v9, $0x7;
	v9 =	vld [tilespmem:s26+$0x10]  }
0x12f: {  	v6 =	vor.u32 v1, v6;
	vm2 =	vlt.u32 v12, $0x65;
	v57 =	vsub.f32 v13, v3  }
0x130: {  	v61 =	vmul.f32 $1.000000000e+02, v23;
	v56 =	vshll.u32 v12, $0x7;
	v12 =	vld [tilespmem:s26+$0x20];
	vm0 =	vmand vm12, vm2  }
0x131: {  	v20 =	vsub.f32 v14, v3;
	vm2 =	vge.f32 v14, v3;
	v14 =	vld [tilespmem:s26+$0x50];
	v17 =	vmul.f32 v57, v4  }
0x132: {  	vm9 =	vmand vm4, vm14;
	v24 =	vor.u32 v1, v10;
	[tilespmem:v11+s21+$0x0] =	vst.idx.add.f32.msk vm6, v2;
	v11 =	vmul.f32 v60, v4  }
0x133: {  	v21 =	vsub.f32 v9, v3;
	vm3 =	vge.f32 v9, v3;
	v9 =	vmul.f32 $1.000000000e+02, v17  }
0x134: {  	vm1 =	vmand vm5, vm15;
	vm12 =	vge.f32 v13, v3;
	v20 =	vmul.f32 v20, v4  }
0x135: {  	vm5 =	vge.f32 v18, v3;
	v11 =	vmul.f32 $1.000000000e+02, v11;
	v9 =	vtrunc.f32 v9  }
0x136: {  	v22 =	vsub.f32 v12, v3;
	vm4 =	vge.f32 v12, v3;
	v9 =	vcvt.f32.s32 v9  }
0x137: {  	v20 =	vmul.f32 $1.000000000e+02, v20;
	v13 =	vsub.f32 v14, v3;
	v11 =	vtrunc.f32 v11  }
0x138: {  	v12 =	vmul.f32 v21, v4;
	v22 =	vmul.f32 v22, v4;
	vm13 =	vlt.u32 v9, $0x65  }
0x139: {  	v21 =	vmul.f32 v59, v4;
	v9 =	vshll.u32 v9, $0x7;
	vm12 =	vmand vm12, vm13  }
0x13a: {  	[tilespmem:v7+s21+$0x0] =	vst.idx.add.f32.msk vm11, v2;
	v10 =	vmul.f32 $1.000000000e+02, v12;
	v12 =	vmul.f32 v13, v4;
	v62 =	vor.u32 v1, v9  }
0x13b: {  	vm6 =	vge.f32 v19, v3;
	[tilespmem:v5+s21+$0x0] =	vst.idx.add.f32.msk vm10, v2;
	v63 =	vtrunc.f32 v20;
	v13 =	vmul.f32 $1.000000000e+02, v22  }
0x13c: {  	v5 =	vor.u32 v1, v15;
	[tilespmem:v6+s21+$0x0] =	vst.idx.add.f32.msk vm7, v2;
	v6 =	vmul.f32 $1.000000000e+02, v21;
	v7 =	vmul.f32 $1.000000000e+02, v12  }
0x13d: {  	[tilespmem:v8+s21+$0x0] =	vst.idx.add.f32.msk vm8, v2;
	vm8 =	vge.f32 v58, v3;
	v10 =	vtrunc.f32 v10;
	v13 =	vtrunc.f32 v13  }
0x13e: {  	vm7 =	vge.f32 v14, v3;
	[tilespmem:v24+s21+$0x0] =	vst.idx.add.f32.msk vm9, v2;
	v9 =	vtrunc.f32 v6;
	v12 =	vtrunc.f32 v61  }
0x13f: {  	s26 =	simm.s32 $0x8;
	v6 =	vor.u32 v1, v56;
	v8 =	vtrunc.f32 v7;
	v7 =	vcvt.f32.s32 v63;
	[tilespmem:v62+s21+$0x0] =	vst.idx.add.f32.msk vm12, v2  }
.LBB2_16:
0x140: {  	s26 =	sadd.s32 $0x8, s26;
	v10 =	vcvt.f32.s32 v10;
	v13 =	vcvt.f32.s32 v13  }
0x141: {  	v9 =	vcvt.f32.s32 v9;
	v12 =	vcvt.f32.s32 v12;
	s25 =	sadd.s32 $0x400, s25;
	s28 =	sshll.u32 s26, $0x4;
	p0 =	slt.u32 s26, $0x7F8;
	vm9 =	vlt.u32 v7, $0x65  }
0x142: {  	v8 =	vcvt.f32.s32 v8;
	v11 =	vcvt.f32.s32 v11;
	s29 =	sand.u32 $0xC00, s25;
	s30 =	sshll.u32 s26, $0x2;
	s28 =	sand.u32 $0x7000, s28;
	vm10 =	vlt.u32 v10, $0x65  }
0x143: {  	s30 =	sand.u32 $0x380, s30;
	vm12 =	vlt.u32 v13, $0x65;
	vm13 =	vlt.u32 v9, $0x65;
	vm14 =	vlt.u32 v12, $0x65;
	s28 =	sor.u32 s29, s28;
	[tilespmem:v5+s21+$0x0] =	vst.idx.add.f32.msk vm1, v2  }
0x144: {  	vm15 =	vlt.u32 v11, $0x65;
	v5 =	vshll.u32 v7, $0x7;
	vm1 =	vlt.u32 v8, $0x65;
	s28 =	sor.u32 s30, s28;
	[tilespmem:v6+s21+$0x0] =	vst.idx.add.f32.msk vm0, v2  }
0x145: {  	v9 =	vshll.u32 v9, $0x7;
	v7 =	vshll.u32 v10, $0x7;
	v10 =	vshll.u32 v13, $0x7;
	v6 =	vld [tilespmem:s28+$0x70]  }
0x146: {  	v12 =	vshll.u32 v12, $0x7;
	v14 =	vshll.u32 v8, $0x7;
	v15 =	vshll.u32 v11, $0x7;
	v13 =	vld [tilespmem:s28+$0x0]  }
0x147: {  	vm11 =	vmand vm2, vm9;
	vm10 =	vmand vm3, vm10;
	vm9 =	vmand vm4, vm12;
	v8 =	vld [tilespmem:s28+$0x10]  }
0x148: {  	vm5 =	vmand vm5, vm13;
	vm6 =	vmand vm6, vm14;
	vm1 =	vmand vm7, vm1;
	v11 =	vld [tilespmem:s28+$0x20]  }
0x149: {  	v5 =	vor.u32 v1, v5;
	v7 =	vor.u32 v1, v7;
	vm0 =	vmand vm8, vm15;
	v16 =	vld [tilespmem:s28+$0x30]  }
0x14a: {  	v9 =	vor.u32 v1, v9;
	v10 =	vor.u32 v1, v10;
	v17 =	vld [tilespmem:s28+$0x40];
	v18 =	vsub.f32 v6, v3  }
0x14b: {  	v12 =	vor.u32 v1, v12;
	v19 =	vsub.f32 v13, v3;
	vm2 =	vge.f32 v13, v3;
	v13 =	vld [tilespmem:s28+$0x50]  }
0x14c: {  	v20 =	vsub.f32 v8, v3;
	vm3 =	vge.f32 v8, v3;
	v8 =	vld [tilespmem:s28+$0x60];
	v18 =	vmul.f32 v18, v4  }
0x14d: {  	v19 =	vmul.f32 v19, v4;
	v21 =	vsub.f32 v11, v3;
	vm4 =	vge.f32 v11, v3  }
0x14e: {  	v11 =	vmul.f32 v20, v4;
	v20 =	vsub.f32 v16, v3;
	v18 =	vmul.f32 $1.000000000e+02, v18;
	[tilespmem:v5+s21+$0x0] =	vst.idx.add.f32.msk vm11, v2  }
0x14f: {  	v5 =	vmul.f32 $1.000000000e+02, v19;
	v19 =	vmul.f32 v21, v4;
	v21 =	vsub.f32 v17, v3;
	[tilespmem:v7+s21+$0x0] =	vst.idx.add.f32.msk vm10, v2  }
0x150: {  	v7 =	vmul.f32 v20, v4;
	v20 =	vsub.f32 v13, v3;
	v18 =	vtrunc.f32 v18;
	[tilespmem:v10+s21+$0x0] =	vst.idx.add.f32.msk vm9, v2  }
0x151: {  	v10 =	vmul.f32 v21, v4;
	v21 =	vsub.f32 v8, v3;
	v18 =	vcvt.f32.s32 v18;
	[tilespmem:v9+s21+$0x0] =	vst.idx.add.f32.msk vm5, v2  }
0x152: {  	v9 =	vmul.f32 $1.000000000e+02, v11;
	vm5 =	vge.f32 v16, v3;
	v11 =	vmul.f32 v20, v4;
	[tilespmem:v12+s21+$0x0] =	vst.idx.add.f32.msk vm6, v2  }
0x153: {  	vm6 =	vge.f32 v6, v3;
	v12 =	vmul.f32 v21, v4;
	vm7 =	vlt.u32 v18, $0x65  }
0x154: {  	v6 =	vmul.f32 $1.000000000e+02, v19;
	v16 =	vshll.u32 v18, $0x7;
	vm9 =	vmand vm6, vm7  }
0x155: {  	v7 =	vmul.f32 $1.000000000e+02, v7;
	v18 =	vmul.f32 $1.000000000e+02, v10;
	v16 =	vor.u32 v1, v16  }
.Ltmp9:
0x156: {  	vm6 =	vge.f32 v17, v3;
	v11 =	vmul.f32 $1.000000000e+02, v11;
	v17 =	vmul.f32 $1.000000000e+02, v12;
	(pc) =	sbr.rel @p0 .LBB2_16-.Ltmp9, $4  }
0x157: {  	v19 =	vtrunc.f32 v5;
	v10 =	vtrunc.f32 v9;
	vm7 =	vge.f32 v13, v3  }
0x158: {  	vm8 =	vge.f32 v8, v3;
	v13 =	vtrunc.f32 v6;
	v9 =	vtrunc.f32 v7  }
0x159: {  	v5 =	vor.u32 v1, v14;
	v12 =	vtrunc.f32 v18;
	v8 =	vtrunc.f32 v11  }
0x15a: {  	v7 =	vcvt.f32.s32 v19;
	v6 =	vor.u32 v1, v15;
	v11 =	vtrunc.f32 v17;
	[tilespmem:v16+s21+$0x0] =	vst.idx.add.f32.msk vm9, v2  }
0x15b: {  	v10 =	vcvt.f32.s32 v10;
	v13 =	vcvt.f32.s32 v13  }
0x15c: {  	v9 =	vcvt.f32.s32 v9;
	v12 =	vcvt.f32.s32 v12  }
0x15d: {  	v8 =	vcvt.f32.s32 v8;
	v11 =	vcvt.f32.s32 v11  }
0x15e: {  	vm9 =	vlt.u32 v7, $0x65;
	v7 =	vshll.u32 v7, $0x7;
	vm10 =	vlt.u32 v10, $0x65  }
0x15f: {  	vm11 =	vlt.u32 v13, $0x65;
	vm12 =	vlt.u32 v9, $0x65;
	vm13 =	vlt.u32 v12, $0x65  }
0x160: {  	vm14 =	vlt.u32 v8, $0x65;
	vm2 =	vmand vm2, vm9;
	vm9 =	vlt.u32 v11, $0x65  }
0x161: {  	v10 =	vshll.u32 v10, $0x7;
	v7 =	vor.u32 v1, v7;
	vm3 =	vmand vm3, vm10  }
0x162: {  	v13 =	vshll.u32 v13, $0x7;
	vm4 =	vmand vm4, vm11;
	v10 =	vor.u32 v1, v10  }
0x163: {  	v9 =	vshll.u32 v9, $0x7;
	vm5 =	vmand vm5, vm12;
	v13 =	vor.u32 v1, v13  }
0x164: {  	[tilespmem:v5+s21+$0x0] =	vst.idx.add.f32.msk vm1, v2;
	v5 =	vshll.u32 v12, $0x7;
	vm1 =	vmand vm6, vm13;
	v9 =	vor.u32 v1, v9  }
0x165: {  	[tilespmem:v6+s21+$0x0] =	vst.idx.add.f32.msk vm0, v2;
	v6 =	vshll.u32 v8, $0x7;
	vm0 =	vmand vm7, vm14;
	v5 =	vor.u32 v1, v5  }
0x166: {  	v8 =	vshll.u32 v11, $0x7;
	vm6 =	vmand vm8, vm9;
	v6 =	vor.u32 v1, v6;
	[tilespmem:v7+s21+$0x0] =	vst.idx.add.f32.msk vm2, v2  }
0x167: {  	v7 =	vor.u32 v1, v8;
	[tilespmem:v10+s21+$0x0] =	vst.idx.add.f32.msk vm3, v2  }
0x168: {  	[tilespmem:v13+s21+$0x0] =	vst.idx.add.f32.msk vm4, v2  }
0x169: {  	s25 =	sshll.u32 s24, $0x10;
	p0 =	seq.s32 s24, $0xB;
	[tilespmem:v9+s21+$0x0] =	vst.idx.add.f32.msk vm5, v2  }
0x16a: {  	s26 =	sadd.s32 @!p0 s25, s8;
	[tilespmem:v5+s21+$0x0] =	vst.idx.add.f32.msk vm1, v2  }
0x16b: {  	s26 =	sshrl.u32 @!p0 s26, $0x3;
	[tilespmem:v6+s21+$0x0] =	vst.idx.add.f32.msk vm0, v2  }
0x16c: {  	s28 =	simm.s32 @!p0 $0x0;
	s26 =	sadd.s32 @!p0 s3, s26;
	[tilespmem:v7+s21+$0x0] =	vst.idx.add.f32.msk vm6, v2  }
0x16d: {  	[tilespmem:s28], [sflag:$0x1] =	stream.linear.gather @!p0 [hbm4b:s26+s28], $0x8000, $0x38;
	[tilespmem:$0x18800] =	vst v63  }
0x16e: {  	s30 =	simm.s32 $0x0;
	s29 =	simm.s32 $0x0;
	s28 =	simm.s32 $0x0  }
0x16f: {  	s26 =	sand.u32 $0xC00, s30;
	_ =	swait.ge [sflag:s20], $0x8000;
	s28 =	sand.u32 $0x7000, s28  }
0x170: {  	s29 =	sand.u32 $0x380, s29;
	[sflag:s20] =	ssyncset.done $0x0;
	s26 =	sor.u32 s26, s28  }
0x171: {  	[sflag:s20] =	ssyncadd.s32 $0xFFFF8000;
	s26 =	sor.u32 s29, s26  }
0x172: {  	v5 =	vld [tilespmem:s26+$0x8070]  }
0x173: {  	v6 =	vld [tilespmem:s26+$0x8000]  }
0x174: {  	v7 =	vld [tilespmem:s26+$0x8010]  }
0x175: {  	v8 =	vld [tilespmem:s26+$0x8020]  }
0x176: {  	v10 =	vld [tilespmem:s26+$0x8040]  }
0x177: {  	v9 =	vld [tilespmem:s26+$0x8030];
	_ =	sdelay $0x1  }
0x178: {  	v11 =	vsub.f32 v5, v3;
	v12 =	vsub.f32 v6, v3;
	vm10 =	vge.f32 v6, v3  }
0x179: {  	v13 =	vsub.f32 v7, v3;
	v14 =	vsub.f32 v8, v3;
	vm2 =	vge.f32 v8, v3  }
0x17a: {  	v15 =	vsub.f32 v10, v3;
	v11 =	vmul.f32 v11, v4;
	v12 =	vmul.f32 v12, v4  }
0x17b: {  	v6 =	vld [tilespmem:s26+$0x8050];
	v8 =	vmul.f32 v13, v4;
	v13 =	vsub.f32 v9, v3;
	v14 =	vmul.f32 v14, v4  }
0x17c: {  	vm1 =	vge.f32 v7, v3;
	v7 =	vld [tilespmem:s26+$0x8060];
	v15 =	vmul.f32 v15, v4;
	v11 =	vmul.f32 $1.000000000e+02, v11  }
0x17d: {  	s28 =	simm.s32 $0x80;
	s26 =	simm.s32 $0x400;
	v12 =	vmul.f32 $1.000000000e+02, v12;
	v13 =	vmul.f32 v13, v4  }
0x17e: {  	s30 =	simm.s32 $0x20;
	s28 =	sand.u32 $0x7000, s28;
	vm4 =	vge.f32 v5, v3;
	s31 =	sand.u32 $0xC00, s26;
	v8 =	vmul.f32 $1.000000000e+02, v8;
	v5 =	vmul.f32 $1.000000000e+02, v14  }
0x17f: {  	s30 =	sand.u32 $0x380, s30;
	s28 =	sor.u32 s31, s28;
	v14 =	vmul.f32 $1.000000000e+02, v15;
	v11 =	vtrunc.f32 v11  }
0x180: {  	s28 =	sor.u32 s30, s28;
	v16 =	vsub.f32 v6, v3;
	v13 =	vmul.f32 $1.000000000e+02, v13;
	v12 =	vtrunc.f32 v12  }
0x181: {  	v18 =	vld [tilespmem:s28+$0x8030];
	v17 =	vsub.f32 v7, v3;
	v8 =	vtrunc.f32 v8;
	v5 =	vtrunc.f32 v5  }
0x182: {  	vm3 =	vge.f32 v9, v3;
	v19 =	vld [tilespmem:s28+$0x8040];
	v11 =	vcvt.f32.s32 v11;
	v9 =	vmul.f32 v16, v4  }
0x183: {  	v58 =	vld [tilespmem:s28+$0x8060];
	vm12 =	vge.f32 v7, v3;
	v55 =	vmul.f32 v17, v4;
	v7 =	vcvt.f32.s32 v8  }
0x184: {  	v5 =	vcvt.f32.s32 v5;
	v13 =	vtrunc.f32 v13  }
0x185: {  	vm5 =	vlt.u32 v11, $0x65;
	v9 =	vmul.f32 $1.000000000e+02, v9;
	v15 =	vmul.f32 $1.000000000e+02, v55  }
0x186: {  	v11 =	vshll.u32 v11, $0x7;
	v8 =	vcvt.f32.s32 v13;
	vm8 =	vlt.u32 v7, $0x65  }
0x187: {  	vm9 =	vlt.u32 v5, $0x65;
	v7 =	vshll.u32 v7, $0x7;
	v59 =	vsub.f32 v18, v3  }
0x188: {  	v5 =	vshll.u32 v5, $0x7;
	v23 =	vsub.f32 v19, v3;
	v60 =	vsub.f32 v58, v3  }
0x189: {  	vm6 =	vmand vm4, vm5;
	v11 =	vor.u32 v1, v11;
	vm4 =	vge.f32 v10, v3  }
0x18a: {  	v10 =	vtrunc.f32 v14;
	vm5 =	vge.f32 v6, v3;
	v6 =	vcvt.f32.s32 v12  }
0x18b: {  	v7 =	vor.u32 v1, v7;
	v5 =	vor.u32 v1, v5;
	v9 =	vtrunc.f32 v9  }
0x18c: {  	v12 =	vtrunc.f32 v15;
	v10 =	vcvt.f32.s32 v10;
	vm13 =	vlt.u32 v8, $0x65  }
0x18d: {  	v13 =	vld [tilespmem:s28+$0x8070];
	v8 =	vshll.u32 v8, $0x7;
	v23 =	vmul.f32 v23, v4;
	vm7 =	vlt.u32 v6, $0x65  }
0x18e: {  	v9 =	vcvt.f32.s32 v9;
	v12 =	vcvt.f32.s32 v12;
	v6 =	vshll.u32 v6, $0x7  }
0x18f: {  	v14 =	vld [tilespmem:s28+$0x8000];
	v8 =	vor.u32 v1, v8;
	vm14 =	vlt.u32 v10, $0x65;
	v10 =	vshll.u32 v10, $0x7  }
0x190: {  	vm11 =	vmand vm10, vm7;
	vm10 =	vmand vm1, vm8;
	vm7 =	vmand vm2, vm9  }
0x191: {  	vm8 =	vmand vm3, vm13;
	vm15 =	vlt.u32 v9, $0x65;
	v15 =	vshll.u32 v9, $0x7;
	v9 =	vld [tilespmem:s28+$0x8010]  }
0x192: {  	v6 =	vor.u32 v1, v6;
	v61 =	vmul.f32 $1.000000000e+02, v23;
	v57 =	vsub.f32 v13, v3  }
0x193: {  	vm0 =	vlt.u32 v12, $0x65;
	v56 =	vshll.u32 v12, $0x7;
	v12 =	vld [tilespmem:s28+$0x8020];
	vm9 =	vmand vm4, vm14  }
0x194: {  	v20 =	vsub.f32 v14, v3;
	vm2 =	vge.f32 v14, v3;
	v14 =	vld [tilespmem:s28+$0x8050];
	v17 =	vmul.f32 v57, v4  }
0x195: {  	v24 =	vor.u32 v1, v10;
	vm1 =	vmand vm5, vm15;
	[tilespmem:v11+s21+$0x0] =	vst.idx.add.f32.msk vm6, v2;
	v11 =	vmul.f32 v60, v4  }
0x196: {  	v21 =	vsub.f32 v9, v3;
	vm3 =	vge.f32 v9, v3;
	v9 =	vmul.f32 $1.000000000e+02, v17  }
0x197: {  	vm0 =	vmand vm12, vm0;
	vm12 =	vge.f32 v13, v3;
	v20 =	vmul.f32 v20, v4  }
0x198: {  	vm5 =	vge.f32 v18, v3;
	v11 =	vmul.f32 $1.000000000e+02, v11;
	v9 =	vtrunc.f32 v9  }
0x199: {  	v22 =	vsub.f32 v12, v3;
	vm4 =	vge.f32 v12, v3;
	v9 =	vcvt.f32.s32 v9  }
0x19a: {  	v20 =	vmul.f32 $1.000000000e+02, v20;
	v13 =	vsub.f32 v14, v3;
	v11 =	vtrunc.f32 v11  }
0x19b: {  	v12 =	vmul.f32 v21, v4;
	v22 =	vmul.f32 v22, v4;
	vm13 =	vlt.u32 v9, $0x65  }
0x19c: {  	v21 =	vmul.f32 v59, v4;
	v9 =	vshll.u32 v9, $0x7;
	vm12 =	vmand vm12, vm13  }
0x19d: {  	[tilespmem:v6+s21+$0x0] =	vst.idx.add.f32.msk vm11, v2;
	v10 =	vmul.f32 $1.000000000e+02, v12;
	v12 =	vmul.f32 v13, v4;
	v62 =	vor.u32 v1, v9  }
0x19e: {  	vm6 =	vge.f32 v19, v3;
	[tilespmem:v7+s21+$0x0] =	vst.idx.add.f32.msk vm10, v2;
	v63 =	vtrunc.f32 v20;
	v13 =	vmul.f32 $1.000000000e+02, v22  }
0x19f: {  	[tilespmem:v8+s21+$0x0] =	vst.idx.add.f32.msk vm8, v2;
	vm8 =	vge.f32 v58, v3;
	v6 =	vmul.f32 $1.000000000e+02, v21;
	v7 =	vmul.f32 $1.000000000e+02, v12  }
0x1a0: {  	[tilespmem:v5+s21+$0x0] =	vst.idx.add.f32.msk vm7, v2;
	v5 =	vor.u32 v1, v15;
	v10 =	vtrunc.f32 v10;
	v13 =	vtrunc.f32 v13  }
0x1a1: {  	vm7 =	vge.f32 v14, v3;
	[tilespmem:v24+s21+$0x0] =	vst.idx.add.f32.msk vm9, v2;
	v9 =	vtrunc.f32 v6;
	v12 =	vtrunc.f32 v61  }
0x1a2: {  	s28 =	simm.s32 $0x8;
	v6 =	vor.u32 v1, v56;
	v8 =	vtrunc.f32 v7;
	v7 =	vcvt.f32.s32 v63;
	[tilespmem:v62+s21+$0x0] =	vst.idx.add.f32.msk vm12, v2  }
.LBB2_18:
0x1a3: {  	s28 =	sadd.s32 $0x8, s28;
	v10 =	vcvt.f32.s32 v10;
	v13 =	vcvt.f32.s32 v13  }
0x1a4: {  	v9 =	vcvt.f32.s32 v9;
	v12 =	vcvt.f32.s32 v12;
	s26 =	sadd.s32 $0x400, s26;
	s29 =	sshll.u32 s28, $0x4;
	p1 =	slt.u32 s28, $0x7F8;
	vm9 =	vlt.u32 v7, $0x65  }
0x1a5: {  	v8 =	vcvt.f32.s32 v8;
	v11 =	vcvt.f32.s32 v11;
	s30 =	sand.u32 $0xC00, s26;
	s31 =	sshll.u32 s28, $0x2;
	s29 =	sand.u32 $0x7000, s29;
	vm10 =	vlt.u32 v10, $0x65  }
0x1a6: {  	s31 =	sand.u32 $0x380, s31;
	vm12 =	vlt.u32 v13, $0x65;
	vm13 =	vlt.u32 v9, $0x65;
	vm14 =	vlt.u32 v12, $0x65;
	s29 =	sor.u32 s30, s29;
	[tilespmem:v5+s21+$0x0] =	vst.idx.add.f32.msk vm1, v2  }
0x1a7: {  	vm15 =	vlt.u32 v11, $0x65;
	v5 =	vshll.u32 v7, $0x7;
	vm1 =	vlt.u32 v8, $0x65;
	s29 =	sor.u32 s31, s29;
	[tilespmem:v6+s21+$0x0] =	vst.idx.add.f32.msk vm0, v2  }
0x1a8: {  	v9 =	vshll.u32 v9, $0x7;
	v7 =	vshll.u32 v10, $0x7;
	v10 =	vshll.u32 v13, $0x7;
	v6 =	vld [tilespmem:s29+$0x8070]  }
0x1a9: {  	v12 =	vshll.u32 v12, $0x7;
	v14 =	vshll.u32 v8, $0x7;
	v15 =	vshll.u32 v11, $0x7;
	v13 =	vld [tilespmem:s29+$0x8000]  }
0x1aa: {  	vm11 =	vmand vm2, vm9;
	vm10 =	vmand vm3, vm10;
	vm9 =	vmand vm4, vm12;
	v8 =	vld [tilespmem:s29+$0x8010]  }
0x1ab: {  	vm5 =	vmand vm5, vm13;
	vm6 =	vmand vm6, vm14;
	vm1 =	vmand vm7, vm1;
	v11 =	vld [tilespmem:s29+$0x8020]  }
0x1ac: {  	v5 =	vor.u32 v1, v5;
	v7 =	vor.u32 v1, v7;
	vm0 =	vmand vm8, vm15;
	v16 =	vld [tilespmem:s29+$0x8030]  }
0x1ad: {  	v9 =	vor.u32 v1, v9;
	v10 =	vor.u32 v1, v10;
	v17 =	vld [tilespmem:s29+$0x8040];
	v18 =	vsub.f32 v6, v3  }
0x1ae: {  	v12 =	vor.u32 v1, v12;
	v19 =	vsub.f32 v13, v3;
	vm2 =	vge.f32 v13, v3;
	v13 =	vld [tilespmem:s29+$0x8050]  }
0x1af: {  	v20 =	vsub.f32 v8, v3;
	vm3 =	vge.f32 v8, v3;
	v8 =	vld [tilespmem:s29+$0x8060];
	v18 =	vmul.f32 v18, v4  }
0x1b0: {  	v19 =	vmul.f32 v19, v4;
	v21 =	vsub.f32 v11, v3;
	vm4 =	vge.f32 v11, v3  }
0x1b1: {  	v11 =	vmul.f32 v20, v4;
	v20 =	vsub.f32 v16, v3;
	v18 =	vmul.f32 $1.000000000e+02, v18;
	[tilespmem:v5+s21+$0x0] =	vst.idx.add.f32.msk vm11, v2  }
0x1b2: {  	v5 =	vmul.f32 $1.000000000e+02, v19;
	v19 =	vmul.f32 v21, v4;
	v21 =	vsub.f32 v17, v3;
	[tilespmem:v7+s21+$0x0] =	vst.idx.add.f32.msk vm10, v2  }
0x1b3: {  	v7 =	vmul.f32 v20, v4;
	v20 =	vsub.f32 v13, v3;
	v18 =	vtrunc.f32 v18;
	[tilespmem:v10+s21+$0x0] =	vst.idx.add.f32.msk vm9, v2  }
0x1b4: {  	v10 =	vmul.f32 v21, v4;
	v21 =	vsub.f32 v8, v3;
	v18 =	vcvt.f32.s32 v18;
	[tilespmem:v9+s21+$0x0] =	vst.idx.add.f32.msk vm5, v2  }
0x1b5: {  	v9 =	vmul.f32 $1.000000000e+02, v11;
	vm5 =	vge.f32 v16, v3;
	v11 =	vmul.f32 v20, v4;
	[tilespmem:v12+s21+$0x0] =	vst.idx.add.f32.msk vm6, v2  }
0x1b6: {  	vm6 =	vge.f32 v6, v3;
	v12 =	vmul.f32 v21, v4;
	vm7 =	vlt.u32 v18, $0x65  }
0x1b7: {  	v6 =	vmul.f32 $1.000000000e+02, v19;
	v16 =	vshll.u32 v18, $0x7;
	vm9 =	vmand vm6, vm7  }
0x1b8: {  	v7 =	vmul.f32 $1.000000000e+02, v7;
	v18 =	vmul.f32 $1.000000000e+02, v10;
	v16 =	vor.u32 v1, v16  }
.Ltmp10:
0x1b9: {  	vm6 =	vge.f32 v17, v3;
	v11 =	vmul.f32 $1.000000000e+02, v11;
	v17 =	vmul.f32 $1.000000000e+02, v12;
	(pc) =	sbr.rel @p1 .LBB2_18-.Ltmp10, $4  }
0x1ba: {  	v19 =	vtrunc.f32 v5;
	v10 =	vtrunc.f32 v9;
	vm7 =	vge.f32 v13, v3  }
0x1bb: {  	vm8 =	vge.f32 v8, v3;
	v13 =	vtrunc.f32 v6;
	v9 =	vtrunc.f32 v7  }
0x1bc: {  	v5 =	vor.u32 v1, v14;
	v12 =	vtrunc.f32 v18;
	v8 =	vtrunc.f32 v11  }
0x1bd: {  	v7 =	vcvt.f32.s32 v19;
	v6 =	vor.u32 v1, v15;
	v11 =	vtrunc.f32 v17;
	[tilespmem:v16+s21+$0x0] =	vst.idx.add.f32.msk vm9, v2  }
0x1be: {  	v10 =	vcvt.f32.s32 v10;
	v13 =	vcvt.f32.s32 v13  }
0x1bf: {  	v9 =	vcvt.f32.s32 v9;
	v12 =	vcvt.f32.s32 v12  }
0x1c0: {  	v8 =	vcvt.f32.s32 v8;
	v11 =	vcvt.f32.s32 v11  }
0x1c1: {  	vm9 =	vlt.u32 v7, $0x65;
	v7 =	vshll.u32 v7, $0x7;
	vm10 =	vlt.u32 v10, $0x65  }
0x1c2: {  	vm11 =	vlt.u32 v13, $0x65;
	vm12 =	vlt.u32 v9, $0x65;
	vm13 =	vlt.u32 v12, $0x65  }
0x1c3: {  	vm2 =	vmand vm2, vm9;
	vm14 =	vlt.u32 v8, $0x65;
	vm15 =	vlt.u32 v11, $0x65  }
0x1c4: {  	v10 =	vshll.u32 v10, $0x7;
	v7 =	vor.u32 v1, v7;
	vm3 =	vmand vm3, vm10  }
0x1c5: {  	v13 =	vshll.u32 v13, $0x7;
	vm4 =	vmand vm4, vm11;
	v10 =	vor.u32 v1, v10  }
0x1c6: {  	v9 =	vshll.u32 v9, $0x7;
	vm5 =	vmand vm5, vm12;
	v13 =	vor.u32 v1, v13  }
0x1c7: {  	[tilespmem:v5+s21+$0x0] =	vst.idx.add.f32.msk vm1, v2;
	v5 =	vshll.u32 v12, $0x7;
	vm13 =	vmand vm6, vm13;
	v9 =	vor.u32 v1, v9  }
0x1c8: {  	[tilespmem:v6+s21+$0x0] =	vst.idx.add.f32.msk vm0, v2;
	v6 =	vshll.u32 v8, $0x7;
	vm14 =	vmand vm7, vm14;
	v5 =	vor.u32 v1, v5  }
0x1c9: {  	v63 =	vshll.u32 v11, $0x7;
	vm15 =	vmand vm8, vm15;
	v6 =	vor.u32 v1, v6;
	[tilespmem:v7+s21+$0x0] =	vst.idx.add.f32.msk vm2, v2  }
0x1ca: {  	v7 =	vor.u32 v1, v63;
	[tilespmem:v10+s21+$0x0] =	vst.idx.add.f32.msk vm3, v2  }
.Ltmp11:
0x1cb: {  	[tilespmem:v13+s21+$0x0] =	vst.idx.add.f32.msk vm4, v2;
	(pc) =	sbr.rel @p0 .LBB2_21-.Ltmp11, $4  }
0x1cc: {  	[tilespmem:v9+s21+$0x0] =	vst.idx.add.f32.msk vm5, v2  }
0x1cd: {  	[tilespmem:v5+s21+$0x0] =	vst.idx.add.f32.msk vm13, v2  }
0x1ce: {  	[tilespmem:v6+s21+$0x0] =	vst.idx.add.f32.msk vm14, v2  }
0x1cf: {  	[tilespmem:v7+s21+$0x0] =	vst.idx.add.f32.msk vm15, v2  }
.Ltmp12:
0x1d0: {  	(pc) =	sbr.rel .LBB2_15-.Ltmp12, $4  }
0x1d1: {  	s25 =	sadd.s32 s25, s9  }
0x1d2: {  	s25 =	sshrl.u32 s25, $0x3  }
0x1d3: {  	s24 =	sadd.s32 $0x1, s24;
	s25 =	sadd.s32 s3, s25  }
0x1d4: {  	[tilespmem:s17], [sflag:$0x2] =	stream.linear.gather [hbm4b:s25+s5], $0x8000, $0x38;
	[tilespmem:$0x18800] =	vst v63  }
.LBB2_22:
0x1d5: {  	_ =	sfence.sel $0x180000  }
0x1d6: {  	[bflag:$0x0] =	sbarrier.arrive $0xFFFF  }
0x1d7: {  	p0 =	sne.s32 s0, $0x0;
	_ =	strace $0x9000004A  }
0x1d8: {  	s0 =	sadd.s32 @!p0 $0x100000, s2;
	[bflag:$0x2] =	sbarrier.arrive $0xFFFF  }
0x1d9: {  	[sflag:s0] =	ssyncadd.tile.s32 @!p0 $0x1;
	_ =	shalt  }
.Lfunc_end2:
_tile_overlayer_lowered:
.L_overlay_start_2:
0x1da: {  	(tag) =	ssettag $0x2  }
0x1db: {  	s0 =	rddreg [dreg:$0x0];
	s2 =	stileid.u32  }
0x1dc: {  	s1 =	rddreg [dreg:$0x1];
	p0 =	sne.s32 s2, $0x0  }
0x1dd: {  	s3 =	rddreg [dreg:$0x2];
	[bflag:$0x3] =	sbarrier.arrive $0xFFFF;
	s2 =	simm.s32 @!p0 $0x1C03  }
0x1de: {  	[timem:s3], [sflag:s2] =	dma.local @!p0 [hbm:s0], s1  }
0x1df: {  	s0 =	simm.s32 @!p0 $0x3  }
0x1e0: {  	_ =	swait.ge @!p0 [sflag:s0], s1  }
0x1e1: {  	s1 =	ssub.s32 @!p0 $0x0, s1;
	[sflag:s0] =	ssyncset.done @!p0 $0x0  }
0x1e2: {  	[sflag:s0] =	ssyncadd.s32 @!p0 s1  }
0x1e3: {  	[bflag:$0x3] =	sbarrier.arrive $0xFFFF  }
0x1e4: {  	_ =	shalt  }

</sc_bundles>
